<compile_context>
chip_gen: v7x
topology: tpu7x:2x2x1
jax: 0.10.2.dev20260603
libtpu: 0.0.44.dev20260713+nightly
codegen_flags: <defaults>
</compile_context>

<pallas_src>
import jax
import jax.numpy as jnp
from jax import lax
from jax.experimental import pallas as pl
from jax.experimental.pallas import tpu as pltpu
from jax.experimental.pallas import tpu_sc as plsc

NC = 2
NS = 16
NW = NC * NS
CHUNK = 128


PACK = 8
RB = 512


def _mlp_body(x_ref, w1_ref, b1_ref, w2_ref, b2_ref, h_ref):
    xb = x_ref[...]
    h1 = lax.dot_general(xb, w1_ref[...], (((1,), (0,)), ((), ())),
                         preferred_element_type=jnp.float32)
    h1 = jnp.maximum(h1 + b1_ref[...], 0.0)
    h2 = lax.dot_general(h1, w2_ref[...], (((1,), (0,)), ((), ())),
                         preferred_element_type=jnp.float32)
    h_ref[...] = h2 + b2_ref[...]


def _mlp(xp, BW1, tb1, BW2, tb2):
    npk = xp.shape[0]
    grid = (npk + RB - 1) // RB
    return pl.pallas_call(
        _mlp_body,
        grid=(grid,),
        in_specs=[
            pl.BlockSpec((RB, 128), lambda i: (i, 0)),
            pl.BlockSpec((128, 128), lambda i: (0, 0)),
            pl.BlockSpec((1, 128), lambda i: (0, 0)),
            pl.BlockSpec((128, 128), lambda i: (0, 0)),
            pl.BlockSpec((1, 128), lambda i: (0, 0)),
        ],
        out_specs=pl.BlockSpec((RB, 128), lambda i: (i, 0)),
        out_shape=jax.ShapeDtypeStruct((npk, 128), jnp.float32),
    )(xp, BW1, tb1, BW2, tb2)


G = 5


def _make_sc_agg(n, e):
    nch = e // CHUNK
    nbase = nch // NW
    extra = nch - nbase * NW
    nslabs = nbase // G
    remc = nbase - nslabs * G
    rpt = ((n + NS - 1) // NS + 15) // 16 * 16
    nrpad = rpt * NS
    zrows = 272
    nzcopies = rpt // zrows
    cpt = rpt
    npad = cpt * NS
    mesh = plsc.VectorSubcoreMesh(core_axis_name="c", subcore_axis_name="s")

    def body(h_hbm, edges_hbm, agg_out, cexp_out,
             srcA, dstA, rowsA, srcB, dstB, rowsB, ones_v,
             cstg, agg_sh, cnt_sh,
             sem_iA, sem_gA, sem_sA, sem_cA,
             sem_iB, sem_gB, sem_sB, sem_cB):
        cid = lax.axis_index("c")
        sid = lax.axis_index("s")
        wid = sid * NC + cid

        z16 = jnp.zeros((16,), jnp.float32)
        o16 = jnp.full((16,), 1.0, jnp.float32)

        zrow = rowsA.at[pl.ds(0, zrows)]

        def zb(i, c):
            rowsA[i] = z16
            return c
        lax.fori_loop(0, zrows, zb, 0)

        def zc(i, c):
            cstg[pl.ds(i * 16, 16)] = z16
            return c
        lax.fori_loop(0, zrows // 16, zc, 0)

        def ob(i, c):
            ones_v[pl.ds(i * 16, 16)] = o16
            return c
        lax.fori_loop(0, CHUNK // 16, ob, 0)

        def zs(k, c):
            pltpu.sync_copy(zrow, agg_sh.at[pl.ds(sid * rpt + k * zrows, zrows)])
            pltpu.sync_copy(cstg, cnt_sh.at[pl.ds(sid * cpt + k * zrows, zrows)])
            return c
        lax.fori_loop(0, nzcopies, zs, 0)
        plsc.subcore_barrier()

        base = nbase * wid + jnp.minimum(wid, extra)

        bufs = ((srcA, dstA, rowsA, sem_iA, sem_gA, sem_sA, sem_cA),
                (srcB, dstB, rowsB, sem_iB, sem_gB, sem_sB, sem_cB))

        def load_idx(slab, bset):
            srcb, dstb = bset[0], bset[1]
            r0 = base + slab * G
            pltpu.async_copy(edges_hbm.at[0, pl.ds(r0, G)], srcb, bset[3])
            pltpu.async_copy(edges_hbm.at[1, pl.ds(r0, G)], dstb, bset[3])

        def wait_idx(slab, bset):
            r0 = base + slab * G
            pltpu.make_async_copy(edges_hbm.at[0, pl.ds(r0, G)], bset[0],
                                  bset[3]).wait()
            pltpu.make_async_copy(edges_hbm.at[1, pl.ds(r0, G)], bset[1],
                                  bset[3]).wait()

        def fire_gathers(bset):
            srcb, rowsb, semg = bset[0], bset[2], bset[4]

            def f(i, c):
                pltpu.async_copy(h_hbm.at[srcb.at[i]],
                                 rowsb.at[pl.ds(i * CHUNK, CHUNK)], semg)
                return c
            lax.fori_loop(0, G, f, 0)

        def drain_gathers(bset):
            srcb, rowsb, semg = bset[0], bset[2], bset[4]

            def f(i, c):
                pltpu.make_async_copy(h_hbm.at[srcb.at[i]],
                                     rowsb.at[pl.ds(i * CHUNK, CHUNK)],
                                     semg).wait()
                return c
            lax.fori_loop(0, G, f, 0)

        def fire_scatters(bset):
            dstb, rowsb, sems, semc = bset[1], bset[2], bset[5], bset[6]

            def f(i, c):
                pltpu.async_copy(rowsb.at[pl.ds(i * CHUNK, CHUNK)],
                                 agg_sh.at[dstb.at[i]], sems, add=True)
                pltpu.async_copy(ones_v, cnt_sh.at[dstb.at[i]], semc,
                                 add=True)
                return c
            lax.fori_loop(0, G, f, 0)

        def drain_scatters(bset):
            dstb, rowsb, sems, semc = bset[1], bset[2], bset[5], bset[6]

            def f(i, c):
                pltpu.make_async_copy(rowsb.at[pl.ds(i * CHUNK, CHUNK)],
                                     agg_sh.at[dstb.at[i]], sems).wait()
                pltpu.make_async_copy(ones_v, cnt_sh.at[dstb.at[i]],
                                     semc).wait()
                return c
            lax.fori_loop(0, G, f, 0)

        npairs = nslabs // 2

        def pair(t, c):
            a, b = 2 * t, 2 * t + 1

            @pl.when(t > 0)
            def _da():
                drain_scatters(bufs[0])
            load_idx(a, bufs[0])

            @pl.when(t > 0)
            def _db():
                drain_scatters(bufs[1])
            wait_idx(a, bufs[0])
            fire_gathers(bufs[0])
            load_idx(b, bufs[1])
            drain_gathers(bufs[0])
            fire_scatters(bufs[0])

            wait_idx(b, bufs[1])
            fire_gathers(bufs[1])
            drain_gathers(bufs[1])
            fire_scatters(bufs[1])
            return c

        lax.fori_loop(0, npairs, pair, 0)

        drain_scatters(bufs[0])
        if nslabs % 2 == 1:
            tail = nslabs - 1
            load_idx(tail, bufs[0])
            wait_idx(tail, bufs[0])
            fire_gathers(bufs[0])
            drain_gathers(bufs[0])
            fire_scatters(bufs[0])
        drain_scatters(bufs[1])

        def one_chunk(row, slot):
            pltpu.sync_copy(edges_hbm.at[0, row], srcB.at[slot])
            pltpu.sync_copy(edges_hbm.at[1, row], dstB.at[slot])
            pltpu.sync_copy(h_hbm.at[srcB.at[slot]],
                            rowsB.at[pl.ds(slot * CHUNK, CHUNK)])
            pltpu.sync_copy(rowsB.at[pl.ds(slot * CHUNK, CHUNK)],
                            agg_sh.at[dstB.at[slot]], add=True)
            pltpu.sync_copy(ones_v, cnt_sh.at[dstB.at[slot]], add=True)

        for rc in range(remc):
            one_chunk(base + nslabs * G + rc, rc)

        @pl.when(wid < extra)
        def _extra():
            one_chunk(base + nbase, remc)

        if nslabs % 2 == 1:
            drain_scatters(bufs[0])
        plsc.subcore_barrier()

        pltpu.sync_copy(agg_sh.at[pl.ds(sid * rpt, rpt)],
                        agg_out.at[cid, pl.ds(sid * rpt, rpt)])

        col_ids = [jnp.full((16,), col, jnp.int32) for col in range(16)]
        lane = lax.iota(jnp.int32, 16)

        def expand(k, c):
            pltpu.sync_copy(cnt_sh.at[pl.ds(sid * cpt + k * zrows, zrows)],
                            cstg)

            def inner(m, c2):
                cvals = cstg[pl.ds(m * 16, 16)]
                ridx = lane + m * 16
                for col in range(16):
                    plsc.store_scatter(rowsA, [ridx, col_ids[col]], cvals)
                return c2
            lax.fori_loop(0, zrows // 16, inner, 0)
            pltpu.sync_copy(zrow,
                            cexp_out.at[cid, pl.ds(sid * rpt + k * zrows,
                                                   zrows)])
            return c
        lax.fori_loop(0, nzcopies, expand, 0)

    return pl.kernel(
        body,
        compiler_params=pltpu.CompilerParams(use_tc_tiling_on_sc=False, needs_layout_passes=False),
        out_type=[
            jax.ShapeDtypeStruct((NC, nrpad, 16), jnp.float32),
            jax.ShapeDtypeStruct((NC, nrpad, 16), jnp.float32),
        ],
        mesh=mesh,
        scratch_types=[
            pltpu.VMEM((G, CHUNK), jnp.int32),
            pltpu.VMEM((G, CHUNK), jnp.int32),
            pltpu.VMEM((G * CHUNK, 16), jnp.float32),
            pltpu.VMEM((G, CHUNK), jnp.int32),
            pltpu.VMEM((G, CHUNK), jnp.int32),
            pltpu.VMEM((G * CHUNK, 16), jnp.float32),
            pltpu.VMEM((CHUNK,), jnp.float32),
            pltpu.VMEM((zrows,), jnp.float32),
            pltpu.VMEM_SHARED((nrpad, 16), jnp.float32),
            pltpu.VMEM_SHARED((npad,), jnp.float32),
        ] + [pltpu.SemaphoreType.DMA] * 8,
    )


def _combine_body(aggp_ref0, aggp_ref1, cp_ref0, cp_ref1, h_ref, wl_ref,
                  bl_ref, wr_ref, out_ref):
    agg = aggp_ref0[0] + aggp_ref1[0]
    cnt = jnp.maximum(cp_ref0[0] + cp_ref1[0], 1.0)
    agg = agg / cnt
    o = lax.dot_general(agg, wl_ref[...], (((1,), (0,)), ((), ())),
                        preferred_element_type=jnp.float32)
    o = o + bl_ref[...]
    o = o + lax.dot_general(h_ref[...], wr_ref[...], (((1,), (0,)), ((), ())),
                            preferred_element_type=jnp.float32)
    out_ref[...] = o


def _combine(aggp, cp, hp, BWl, tbl, BWr):
    npk = hp.shape[0]
    grid = (npk + RB - 1) // RB
    return pl.pallas_call(
        _combine_body,
        grid=(grid,),
        in_specs=[
            pl.BlockSpec((1, RB, 128), lambda i: (0, i, 0)),
            pl.BlockSpec((1, RB, 128), lambda i: (1, i, 0)),
            pl.BlockSpec((1, RB, 128), lambda i: (0, i, 0)),
            pl.BlockSpec((1, RB, 128), lambda i: (1, i, 0)),
            pl.BlockSpec((RB, 128), lambda i: (i, 0)),
            pl.BlockSpec((128, 256), lambda i: (0, 0)),
            pl.BlockSpec((1, 256), lambda i: (0, 0)),
            pl.BlockSpec((128, 256), lambda i: (0, 0)),
        ],
        out_specs=pl.BlockSpec((RB, 256), lambda i: (i, 0)),
        out_shape=jax.ShapeDtypeStruct((npk, 256), jnp.float32),
    )(aggp, aggp, cp, cp, hp, BWl, tbl, BWr)


def kernel(x, edge_index, W1, b1, W2, b2, Wl, bl, Wr):
    n = x.shape[0]
    e = edge_index.shape[1]
    eye = jnp.eye(PACK, dtype=jnp.float32)
    BW1 = jnp.kron(eye, W1.T)
    BW2 = jnp.kron(eye, W2.T)
    BWl = jnp.kron(eye, Wl.T)
    BWr = jnp.kron(eye, Wr.T)
    tb1 = jnp.tile(b1, PACK).reshape(1, 128)
    tb2 = jnp.tile(b2, PACK).reshape(1, 128)
    tbl = jnp.tile(bl, PACK).reshape(1, 256)

    xp = x.reshape(n // PACK, 128)
    hp = _mlp(xp, BW1, tb1, BW2, tb2)
    h = hp.reshape(n, 16)
    edges = edge_index.reshape(2, e // CHUNK, CHUNK)
    agg2, cexp2 = _make_sc_agg(n, e)(h, edges)
    aggp = agg2.reshape(NC, -1, 128)
    cp = cexp2.reshape(NC, -1, 128)
    outp = _combine(aggp, cp, hp, BWl, tbl, BWr)
    return outp.reshape(n, 32)

# --- scband reference (transcript-rebuilt; emitter-appended) ---
"""Pipeline reference for scband-net7-29755533427165 (READ-ONLY COPY).

The authoritative reference and input builder live on the scoring server;
editing this copy changes nothing except your own understanding.
"""

import jax, jax.numpy as jnp
import numpy as np

N = 100000
E = 3200000

def setup_inputs(seed: int = 0) -> dict:
    key = jax.random.key(seed)
    ks = jax.random.split(key, 10)
    x = jax.random.normal(ks[0], (N, 16), dtype=jnp.float32)
    edge_index = jax.random.randint(ks[1], (2, E), 0, N, dtype=jnp.int32)
    # mlp1: Linear(16,16), ReLU, Linear(16,16)
    W1 = jax.random.normal(ks[2], (16, 16), dtype=jnp.float32) * 0.25
    b1 = jax.random.normal(ks[3], (16,), dtype=jnp.float32) * 0.05
    W2 = jax.random.normal(ks[4], (16, 16), dtype=jnp.float32) * 0.25
    b2 = jax.random.normal(ks[5], (16,), dtype=jnp.float32) * 0.05
    # SAGEConv(16, 32): lin_l (neighbors, with bias), lin_r (root, no bias)
    Wl = jax.random.normal(ks[6], (32, 16), dtype=jnp.float32) * 0.25
    bl = jax.random.normal(ks[7], (32,), dtype=jnp.float32) * 0.05
    Wr = jax.random.normal(ks[8], (32, 16), dtype=jnp.float32) * 0.25
    return {"x": x, "edge_index": edge_index, "W1": W1, "b1": b1, "W2": W2, "b2": b2, "Wl": Wl, "bl": bl, "Wr": Wr}

def reference(x, edge_index, W1, b1, W2, b2, Wl, bl, Wr):
    # mlp1
    h = jnp.maximum(x @ W1.T + b1, 0.0)
    h = h @ W2.T + b2
    # SAGEConv with mean aggregation: messages flow src -> dst
    src = edge_index[0]
    dst = edge_index[1]
    msgs = jnp.take(h, src, axis=0)
    agg = jax.ops.segment_sum(msgs, dst, num_segments=N)
    cnt = jax.ops.segment_sum(jnp.ones((E,), dtype=jnp.float32), dst, num_segments=N)
    agg = agg / jnp.maximum(cnt, 1.0)[:, None]
    out = agg @ Wl.T + bl + h @ Wr.T
    return out

if __name__ == "__main__":
    import jax
    _d = setup_inputs()
    print(jax.jit(kernel)(*tuple(_d.values())))

</pallas_src>

<mosaic_0001>
#map = affine_map<(d0, d1) -> (0, 0)>
#map1 = affine_map<(d0, d1) -> (0, 0, 0)>
module attributes {stable_mosaic.version = 14 : i64} {
  func.func @body(%arg0: i32, %arg1: i32, %arg2: memref<100000x16xf32, #tpu.memory_space<hbm>>, %arg3: memref<2x25000x128xi32, #tpu.memory_space<hbm>>, %arg4: memref<2x100096x16xf32, #tpu.memory_space<hbm>>, %arg5: memref<2x100096x16xf32, #tpu.memory_space<hbm>>, %arg6: memref<5x128xi32, #tpu.memory_space<vmem>>, %arg7: memref<5x128xi32, #tpu.memory_space<vmem>>, %arg8: memref<640x16xf32, #tpu.memory_space<vmem>>, %arg9: memref<5x128xi32, #tpu.memory_space<vmem>>, %arg10: memref<5x128xi32, #tpu.memory_space<vmem>>, %arg11: memref<640x16xf32, #tpu.memory_space<vmem>>, %arg12: memref<128xf32, #tpu.memory_space<vmem>>, %arg13: memref<272xf32, #tpu.memory_space<vmem>>, %arg14: memref<100096x16xf32, #tpu.memory_space<vmem_shared>>, %arg15: memref<100096xf32, #tpu.memory_space<vmem_shared>>, %arg16: memref<!tpu.dma_semaphore, #tpu.memory_space<semaphore_mem>>, %arg17: memref<!tpu.dma_semaphore, #tpu.memory_space<semaphore_mem>>, %arg18: memref<!tpu.dma_semaphore, #tpu.memory_space<semaphore_mem>>, %arg19: memref<!tpu.dma_semaphore, #tpu.memory_space<semaphore_mem>>, %arg20: memref<!tpu.dma_semaphore, #tpu.memory_space<semaphore_mem>>, %arg21: memref<!tpu.dma_semaphore, #tpu.memory_space<semaphore_mem>>, %arg22: memref<!tpu.dma_semaphore, #tpu.memory_space<semaphore_mem>>, %arg23: memref<!tpu.dma_semaphore, #tpu.memory_space<semaphore_mem>>) attributes {dimension_semantics = [#tpu.dimension_semantics<core_parallel>, #tpu.dimension_semantics<subcore_parallel>], iteration_bounds = array<i64: 2, 16>, scalar_prefetch = 0 : i64, scratch_operands = 18 : i64, tpu.core_type = #tpu.core_type<sc_vector_subcore>, window_params = [{transform_indices = #map}, {transform_indices = #map1}, {transform_indices = #map1}, {transform_indices = #map1}]} {
    %mul3A = arith.constant 2 : i32
    %mul3A_0 = arith.muli %arg1, %mul3A : i32
    %add3A = arith.addi %mul3A_0, %arg0 : i32
    %broadcast_in_dim3A = arith.constant 0.000000e+00 : f32
    %broadcast_in_dim3A_1 = vector.broadcast %broadcast_in_dim3A : f32 to vector<16xf32>
    %broadcast_in_dim3A_2 = arith.constant 1.000000e+00 : f32
    %broadcast_in_dim3A_3 = vector.broadcast %broadcast_in_dim3A_2 : f32 to vector<16xf32>
    %scan3A = arith.constant 0 : i32
    %scan3A_4 = arith.constant 0 : i32
    %scan3A_5 = arith.constant 272 : i32
    %scan3A_6 = arith.addi %scan3A_4, %scan3A_5 : i32
    %scan3A_7 = arith.constant 1 : i32
    scf.for %scan3A_104 = %scan3A_4 to %scan3A_6 step %scan3A_7  : i32 {
      %swap3A = arith.index_cast %scan3A_104 : i32 to index
      %swap3A_105 = arith.constant 0 : index
      %swap3A_106 = tpu.vector_load %arg8[%swap3A, %swap3A_105] {strides = array<i32>} : memref<640x16xf32, #tpu.memory_space<vmem>>, vector<16xf32>,
      tpu.vector_store %arg8[%swap3A, %swap3A_105], %broadcast_in_dim3A_1 {strides = array<i32>} : memref<640x16xf32, #tpu.memory_space<vmem>>, vector<16xf32>,
    }
    %scan3A_8 = arith.constant 272 : i32
    %scan3A_9 = arith.constant 0 : i32
    %scan3A_10 = arith.constant 0 : i32
    %scan3A_11 = arith.constant 17 : i32
    %scan3A_12 = arith.addi %scan3A_10, %scan3A_11 : i32
    %scan3A_13 = arith.constant 1 : i32
    scf.for %scan3A_104 = %scan3A_10 to %scan3A_12 step %scan3A_13  : i32 {
      %mul3A_105 = arith.constant 16 : i32
      %mul3A_106 = arith.muli %scan3A_104, %mul3A_105 : i32
      %swap3A = arith.index_cast %mul3A_106 : i32 to index
      %swap3A_107 = tpu.vector_load %arg13[%swap3A] {strides = array<i32>} : memref<272xf32, #tpu.memory_space<vmem>>, vector<16xf32>,
      tpu.vector_store %arg13[%swap3A], %broadcast_in_dim3A_1 {strides = array<i32>} : memref<272xf32, #tpu.memory_space<vmem>>, vector<16xf32>,
    }
    %scan3A_14 = arith.constant 17 : i32
    %scan3A_15 = arith.constant 0 : i32
    %scan3A_16 = arith.constant 0 : i32
    %scan3A_17 = arith.constant 8 : i32
    %scan3A_18 = arith.addi %scan3A_16, %scan3A_17 : i32
    %scan3A_19 = arith.constant 1 : i32
    scf.for %scan3A_104 = %scan3A_16 to %scan3A_18 step %scan3A_19  : i32 {
      %mul3A_105 = arith.constant 16 : i32
      %mul3A_106 = arith.muli %scan3A_104, %mul3A_105 : i32
      %swap3A = arith.index_cast %mul3A_106 : i32 to index
      %swap3A_107 = tpu.vector_load %arg12[%swap3A] {strides = array<i32>} : memref<128xf32, #tpu.memory_space<vmem>>, vector<16xf32>,
      tpu.vector_store %arg12[%swap3A], %broadcast_in_dim3A_3 {strides = array<i32>} : memref<128xf32, #tpu.memory_space<vmem>>, vector<16xf32>,
    }
    %scan3A_20 = arith.constant 8 : i32
    %scan3A_21 = arith.constant 0 : i32
    %scan3A_22 = arith.constant 0 : i32
    %scan3A_23 = arith.constant 23 : i32
    %scan3A_24 = arith.addi %scan3A_22, %scan3A_23 : i32
    %scan3A_25 = arith.constant 1 : i32
    scf.for %scan3A_104 = %scan3A_22 to %scan3A_24 step %scan3A_25  : i32 {
      %mul3A_105 = arith.constant 6256 : i32
      %mul3A_106 = arith.muli %arg1, %mul3A_105 : i32
      %mul3A_107 = arith.constant 272 : i32
      %mul3A_108 = arith.muli %scan3A_104, %mul3A_107 : i32
      %add3A_109 = arith.addi %mul3A_106, %mul3A_108 : i32
      "tpu.region"() ({
        %run_scoped3A_115 = tpu.sem_alloc : memref<!tpu.dma_semaphore, #tpu.memory_space<semaphore_mem>>
        %dma_start3A = arith.constant 0 : i32
        %dma_start3A_116 = arith.constant 0 : i32
        %dma_start3A_117 = tpu.memref_slice %arg8[%dma_start3A, %dma_start3A_116] : memref<640x16xf32, #tpu.memory_space<vmem>> -> memref<272x16xf32, #tpu.memory_space<vmem>>
        %dma_start3A_118 = arith.constant 0 : i32
        %dma_start3A_119 = tpu.memref_slice %arg14[%add3A_109, %dma_start3A_118] : memref<100096x16xf32, #tpu.memory_space<vmem_shared>> -> memref<272x16xf32, #tpu.memory_space<vmem_shared>>
        %dma_start3A_120 = arith.constant 0 : i32
        %dma_start3A_121 = tpu.memref_slice %arg14[%add3A_109, %dma_start3A_120] : memref<100096x16xf32, #tpu.memory_space<vmem_shared>> -> memref<272x16xf32, #tpu.memory_space<vmem_shared>>
        %dma_start3A_122 = arith.constant 0 : i32
        %dma_start3A_123 = arith.constant 0 : i32
        %dma_start3A_124 = tpu.memref_slice %arg8[%dma_start3A_122, %dma_start3A_123] : memref<640x16xf32, #tpu.memory_space<vmem>> -> memref<272x16xf32, #tpu.memory_space<vmem>>
        tpu.enqueue_dma source(%dma_start3A_124 : memref<272x16xf32, #tpu.memory_space<vmem>>) target(%dma_start3A_121 : memref<272x16xf32, #tpu.memory_space<vmem_shared>>) target_semaphore(%run_scoped3A_115 : memref<!tpu.dma_semaphore, #tpu.memory_space<semaphore_mem>>)
        %dma_wait3A = arith.constant 0 : i32
        %dma_wait3A_125 = arith.constant 0 : i32
        %dma_wait3A_126 = tpu.memref_slice %arg8[%dma_wait3A, %dma_wait3A_125] : memref<640x16xf32, #tpu.memory_space<vmem>> -> memref<272x16xf32, #tpu.memory_space<vmem>>
        %dma_wait3A_127 = arith.constant 0 : i32
        %dma_wait3A_128 = tpu.memref_slice %arg14[%add3A_109, %dma_wait3A_127] : memref<100096x16xf32, #tpu.memory_space<vmem_shared>> -> memref<272x16xf32, #tpu.memory_space<vmem_shared>>
        %dma_wait3A_129 = arith.constant 0 : i32
        %dma_wait3A_130 = tpu.memref_slice %arg14[%add3A_109, %dma_wait3A_129] : memref<100096x16xf32, #tpu.memory_space<vmem_shared>> -> memref<272x16xf32, #tpu.memory_space<vmem_shared>>
        %dma_wait3A_131 = arith.constant 0 : i32
        %dma_wait3A_132 = arith.constant 0 : i32
        %dma_wait3A_133 = tpu.memref_slice %arg8[%dma_wait3A_131, %dma_wait3A_132] : memref<640x16xf32, #tpu.memory_space<vmem>> -> memref<272x16xf32, #tpu.memory_space<vmem>>
        tpu.wait_dma2 semaphore(%run_scoped3A_115 : memref<!tpu.dma_semaphore, #tpu.memory_space<semaphore_mem>>) src(%dma_wait3A_133 : memref<272x16xf32, #tpu.memory_space<vmem>>) dst(%dma_wait3A_130 : memref<272x16xf32, #tpu.memory_space<vmem_shared>>)
        tpu.yield
      }) : () -> ()
      %mul3A_110 = arith.constant 6256 : i32
      %mul3A_111 = arith.muli %arg1, %mul3A_110 : i32
      %mul3A_112 = arith.constant 272 : i32
      %mul3A_113 = arith.muli %scan3A_104, %mul3A_112 : i32
      %add3A_114 = arith.addi %mul3A_111, %mul3A_113 : i32
      "tpu.region"() ({
        %run_scoped3A_115 = tpu.sem_alloc : memref<!tpu.dma_semaphore, #tpu.memory_space<semaphore_mem>>
        %dma_start3A = tpu.memref_slice %arg15[%add3A_114] : memref<100096xf32, #tpu.memory_space<vmem_shared>> -> memref<272xf32, #tpu.memory_space<vmem_shared>>
        %dma_start3A_116 = tpu.memref_slice %arg15[%add3A_114] : memref<100096xf32, #tpu.memory_space<vmem_shared>> -> memref<272xf32, #tpu.memory_space<vmem_shared>>
        tpu.enqueue_dma source(%arg13 : memref<272xf32, #tpu.memory_space<vmem>>) target(%dma_start3A_116 : memref<272xf32, #tpu.memory_space<vmem_shared>>) target_semaphore(%run_scoped3A_115 : memref<!tpu.dma_semaphore, #tpu.memory_space<semaphore_mem>>)
        %dma_wait3A = tpu.memref_slice %arg15[%add3A_114] : memref<100096xf32, #tpu.memory_space<vmem_shared>> -> memref<272xf32, #tpu.memory_space<vmem_shared>>
        %dma_wait3A_117 = tpu.memref_slice %arg15[%add3A_114] : memref<100096xf32, #tpu.memory_space<vmem_shared>> -> memref<272xf32, #tpu.memory_space<vmem_shared>>
        tpu.wait_dma2 semaphore(%run_scoped3A_115 : memref<!tpu.dma_semaphore, #tpu.memory_space<semaphore_mem>>) src(%arg13 : memref<272xf32, #tpu.memory_space<vmem>>) dst(%dma_wait3A_117 : memref<272xf32, #tpu.memory_space<vmem_shared>>)
        tpu.yield
      }) : () -> ()
    }
    %scan3A_26 = arith.constant 23 : i32
    %barrier3A = arith.constant 0 : index
    tpu.barrier barrier_id(%barrier3A)
    %mul3A_27 = arith.constant 781 : i32
    %mul3A_28 = arith.muli %mul3A_27, %add3A : i32
    %min3A = arith.constant 8 : i32
    %min3A_29 = arith.minsi %add3A, %min3A : i32
    %add3A_30 = arith.addi %mul3A_28, %min3A_29 : i32
    %scan3A_31 = arith.constant 0 : i32
    %scan3A_32 = arith.constant 0 : i32
    %scan3A_33 = arith.constant 78 : i32
    %scan3A_34 = arith.addi %scan3A_32, %scan3A_33 : i32
    %scan3A_35 = arith.constant 1 : i32
    scf.for %scan3A_104 = %scan3A_32 to %scan3A_34 step %scan3A_35  : i32 {
      %mul3A_105 = arith.constant 2 : i32
      %mul3A_106 = arith.muli %mul3A_105, %scan3A_104 : i32
      %mul3A_107 = arith.constant 2 : i32
      %mul3A_108 = arith.muli %mul3A_107, %scan3A_104 : i32
      %add3A_109 = arith.constant 1 : i32
      %add3A_110 = arith.addi %mul3A_108, %add3A_109 : i32
      %gt3A = arith.constant 0 : i32
      %gt3A_111 = arith.cmpi sgt, %scan3A_104, %gt3A : i32
      %convert_element_type3A_112 = arith.extui %gt3A_111 : i1 to i32
      %cond3A_113 = arith.constant 0 : i32
      %cond3A_114 = arith.cmpi ne, %convert_element_type3A_112, %cond3A_113 : i32
      scf.if %cond3A_114 {
        %scan3A_222 = arith.constant 0 : i32
        %scan3A_223 = arith.constant 0 : i32
        %scan3A_224 = arith.constant 5 : i32
        %scan3A_225 = arith.addi %scan3A_223, %scan3A_224 : i32
        %scan3A_226 = arith.constant 1 : i32
        scf.for %scan3A_228 = %scan3A_223 to %scan3A_225 step %scan3A_226  : i32 {
          %mul3A_229 = arith.constant 128 : i32
          %mul3A_230 = arith.muli %scan3A_228, %mul3A_229 : i32
          %dma_wait3A_231 = arith.constant 0 : i32
          %dma_wait3A_232 = tpu.memref_slice %arg8[%mul3A_230, %dma_wait3A_231] : memref<640x16xf32, #tpu.memory_space<vmem>> -> memref<128x16xf32, #tpu.memory_space<vmem>>
          %dma_wait3A_233 = arith.constant 0 : i32
          %dma_wait3A_234 = tpu.memref_slice %arg7[%scan3A_228, %dma_wait3A_233] : memref<5x128xi32, #tpu.memory_space<vmem>> -> memref<1x128xi32, #tpu.memory_space<vmem>>
          %dma_wait3A_235 = tpu.memref_squeeze %dma_wait3A_234 : memref<1x128xi32, #tpu.memory_space<vmem>> -> memref<128xi32, #tpu.memory_space<vmem>>
          %dma_wait3A_236 = arith.constant 0 : i32
          %dma_wait3A_237 = arith.constant 0 : i32
          %dma_wait3A_238 = tpu.memref_slice %arg14[%dma_wait3A_236, %dma_wait3A_237] : memref<100096x16xf32, #tpu.memory_space<vmem_shared>> -> memref<100096x16xf32, #tpu.memory_space<vmem_shared>>
          tpu.wait_indirect_dma semaphore(%arg18 : memref<!tpu.dma_semaphore, #tpu.memory_space<semaphore_mem>>) src(%dma_wait3A_232 : memref<128x16xf32, #tpu.memory_space<vmem>>) dst(%dma_wait3A_238 : memref<100096x16xf32, #tpu.memory_space<vmem_shared>>)
          %dma_wait3A_239 = arith.constant 0 : i32
          %dma_wait3A_240 = tpu.memref_slice %arg7[%scan3A_228, %dma_wait3A_239] : memref<5x128xi32, #tpu.memory_space<vmem>> -> memref<1x128xi32, #tpu.memory_space<vmem>>
          %dma_wait3A_241 = tpu.memref_squeeze %dma_wait3A_240 : memref<1x128xi32, #tpu.memory_space<vmem>> -> memref<128xi32, #tpu.memory_space<vmem>>
          %dma_wait3A_242 = arith.constant 0 : i32
          %dma_wait3A_243 = tpu.memref_slice %arg15[%dma_wait3A_242] : memref<100096xf32, #tpu.memory_space<vmem_shared>> -> memref<100096xf32, #tpu.memory_space<vmem_shared>>
          tpu.wait_indirect_dma semaphore(%arg19 : memref<!tpu.dma_semaphore, #tpu.memory_space<semaphore_mem>>) src(%arg12 : memref<128xf32, #tpu.memory_space<vmem>>) dst(%dma_wait3A_243 : memref<100096xf32, #tpu.memory_space<vmem_shared>>)
        }
        %scan3A_227 = arith.constant 5 : i32
      } else {
      }
      %mul3A_115 = arith.constant 5 : i32
      %mul3A_116 = arith.muli %mul3A_106, %mul3A_115 : i32
      %add3A_117 = arith.addi %add3A_30, %mul3A_116 : i32
      %dma_start3A = arith.constant 0 : i32
      %dma_start3A_118 = arith.constant 0 : i32
      %dma_start3A_119 = tpu.memref_slice %arg3[%dma_start3A, %add3A_117, %dma_start3A_118] : memref<2x25000x128xi32, #tpu.memory_space<hbm>> -> memref<1x5x128xi32, #tpu.memory_space<hbm>>
      %dma_start3A_120 = tpu.memref_squeeze %dma_start3A_119 : memref<1x5x128xi32, #tpu.memory_space<hbm>> -> memref<5x128xi32, #tpu.memory_space<hbm>>
      %dma_start3A_121 = arith.constant 0 : i32
      %dma_start3A_122 = tpu.memref_slice %arg3[%dma_start3A, %add3A_117, %dma_start3A_121] : memref<2x25000x128xi32, #tpu.memory_space<hbm>> -> memref<1x5x128xi32, #tpu.memory_space<hbm>>
      %dma_start3A_123 = tpu.memref_squeeze %dma_start3A_122 : memref<1x5x128xi32, #tpu.memory_space<hbm>> -> memref<5x128xi32, #tpu.memory_space<hbm>>
      tpu.enqueue_dma source(%dma_start3A_123 : memref<5x128xi32, #tpu.memory_space<hbm>>) target(%arg6 : memref<5x128xi32, #tpu.memory_space<vmem>>) target_semaphore(%arg16 : memref<!tpu.dma_semaphore, #tpu.memory_space<semaphore_mem>>)
      %dma_start3A_124 = arith.constant 1 : i32
      %dma_start3A_125 = arith.constant 0 : i32
      %dma_start3A_126 = tpu.memref_slice %arg3[%dma_start3A_124, %add3A_117, %dma_start3A_125] : memref<2x25000x128xi32, #tpu.memory_space<hbm>> -> memref<1x5x128xi32, #tpu.memory_space<hbm>>
      %dma_start3A_127 = tpu.memref_squeeze %dma_start3A_126 : memref<1x5x128xi32, #tpu.memory_space<hbm>> -> memref<5x128xi32, #tpu.memory_space<hbm>>
      %dma_start3A_128 = arith.constant 0 : i32
      %dma_start3A_129 = tpu.memref_slice %arg3[%dma_start3A_124, %add3A_117, %dma_start3A_128] : memref<2x25000x128xi32, #tpu.memory_space<hbm>> -> memref<1x5x128xi32, #tpu.memory_space<hbm>>
      %dma_start3A_130 = tpu.memref_squeeze %dma_start3A_129 : memref<1x5x128xi32, #tpu.memory_space<hbm>> -> memref<5x128xi32, #tpu.memory_space<hbm>>
      tpu.enqueue_dma source(%dma_start3A_130 : memref<5x128xi32, #tpu.memory_space<hbm>>) target(%arg7 : memref<5x128xi32, #tpu.memory_space<vmem>>) target_semaphore(%arg16 : memref<!tpu.dma_semaphore, #tpu.memory_space<semaphore_mem>>)
      %gt3A_131 = arith.constant 0 : i32
      %gt3A_132 = arith.cmpi sgt, %scan3A_104, %gt3A_131 : i32
      %convert_element_type3A_133 = arith.extui %gt3A_132 : i1 to i32
      %cond3A_134 = arith.constant 0 : i32
      %cond3A_135 = arith.cmpi ne, %convert_element_type3A_133, %cond3A_134 : i32
      scf.if %cond3A_135 {
        %scan3A_222 = arith.constant 0 : i32
        %scan3A_223 = arith.constant 0 : i32
        %scan3A_224 = arith.constant 5 : i32
        %scan3A_225 = arith.addi %scan3A_223, %scan3A_224 : i32
        %scan3A_226 = arith.constant 1 : i32
        scf.for %scan3A_228 = %scan3A_223 to %scan3A_225 step %scan3A_226  : i32 {
          %mul3A_229 = arith.constant 128 : i32
          %mul3A_230 = arith.muli %scan3A_228, %mul3A_229 : i32
          %dma_wait3A_231 = arith.constant 0 : i32
          %dma_wait3A_232 = tpu.memref_slice %arg11[%mul3A_230, %dma_wait3A_231] : memref<640x16xf32, #tpu.memory_space<vmem>> -> memref<128x16xf32, #tpu.memory_space<vmem>>
          %dma_wait3A_233 = arith.constant 0 : i32
          %dma_wait3A_234 = tpu.memref_slice %arg10[%scan3A_228, %dma_wait3A_233] : memref<5x128xi32, #tpu.memory_space<vmem>> -> memref<1x128xi32, #tpu.memory_space<vmem>>
          %dma_wait3A_235 = tpu.memref_squeeze %dma_wait3A_234 : memref<1x128xi32, #tpu.memory_space<vmem>> -> memref<128xi32, #tpu.memory_space<vmem>>
          %dma_wait3A_236 = arith.constant 0 : i32
          %dma_wait3A_237 = arith.constant 0 : i32
          %dma_wait3A_238 = tpu.memref_slice %arg14[%dma_wait3A_236, %dma_wait3A_237] : memref<100096x16xf32, #tpu.memory_space<vmem_shared>> -> memref<100096x16xf32, #tpu.memory_space<vmem_shared>>
          tpu.wait_indirect_dma semaphore(%arg22 : memref<!tpu.dma_semaphore, #tpu.memory_space<semaphore_mem>>) src(%dma_wait3A_232 : memref<128x16xf32, #tpu.memory_space<vmem>>) dst(%dma_wait3A_238 : memref<100096x16xf32, #tpu.memory_space<vmem_shared>>)
          %dma_wait3A_239 = arith.constant 0 : i32
          %dma_wait3A_240 = tpu.memref_slice %arg10[%scan3A_228, %dma_wait3A_239] : memref<5x128xi32, #tpu.memory_space<vmem>> -> memref<1x128xi32, #tpu.memory_space<vmem>>
          %dma_wait3A_241 = tpu.memref_squeeze %dma_wait3A_240 : memref<1x128xi32, #tpu.memory_space<vmem>> -> memref<128xi32, #tpu.memory_space<vmem>>
          %dma_wait3A_242 = arith.constant 0 : i32
          %dma_wait3A_243 = tpu.memref_slice %arg15[%dma_wait3A_242] : memref<100096xf32, #tpu.memory_space<vmem_shared>> -> memref<100096xf32, #tpu.memory_space<vmem_shared>>
          tpu.wait_indirect_dma semaphore(%arg23 : memref<!tpu.dma_semaphore, #tpu.memory_space<semaphore_mem>>) src(%arg12 : memref<128xf32, #tpu.memory_space<vmem>>) dst(%dma_wait3A_243 : memref<100096xf32, #tpu.memory_space<vmem_shared>>)
        }
        %scan3A_227 = arith.constant 5 : i32
      } else {
      }
      %mul3A_136 = arith.constant 5 : i32
      %mul3A_137 = arith.muli %mul3A_106, %mul3A_136 : i32
      %add3A_138 = arith.addi %add3A_30, %mul3A_137 : i32
      %dma_wait3A = arith.constant 0 : i32
      %dma_wait3A_139 = arith.constant 0 : i32
      %dma_wait3A_140 = tpu.memref_slice %arg3[%dma_wait3A, %add3A_138, %dma_wait3A_139] : memref<2x25000x128xi32, #tpu.memory_space<hbm>> -> memref<1x5x128xi32, #tpu.memory_space<hbm>>
      %dma_wait3A_141 = tpu.memref_squeeze %dma_wait3A_140 : memref<1x5x128xi32, #tpu.memory_space<hbm>> -> memref<5x128xi32, #tpu.memory_space<hbm>>
      %dma_wait3A_142 = arith.constant 0 : i32
      %dma_wait3A_143 = tpu.memref_slice %arg3[%dma_wait3A, %add3A_138, %dma_wait3A_142] : memref<2x25000x128xi32, #tpu.memory_space<hbm>> -> memref<1x5x128xi32, #tpu.memory_space<hbm>>
      %dma_wait3A_144 = tpu.memref_squeeze %dma_wait3A_143 : memref<1x5x128xi32, #tpu.memory_space<hbm>> -> memref<5x128xi32, #tpu.memory_space<hbm>>
      tpu.wait_dma2 semaphore(%arg16 : memref<!tpu.dma_semaphore, #tpu.memory_space<semaphore_mem>>) src(%dma_wait3A_144 : memref<5x128xi32, #tpu.memory_space<hbm>>) dst(%arg6 : memref<5x128xi32, #tpu.memory_space<vmem>>)
      %dma_wait3A_145 = arith.constant 1 : i32
      %dma_wait3A_146 = arith.constant 0 : i32
      %dma_wait3A_147 = tpu.memref_slice %arg3[%dma_wait3A_145, %add3A_138, %dma_wait3A_146] : memref<2x25000x128xi32, #tpu.memory_space<hbm>> -> memref<1x5x128xi32, #tpu.memory_space<hbm>>
      %dma_wait3A_148 = tpu.memref_squeeze %dma_wait3A_147 : memref<1x5x128xi32, #tpu.memory_space<hbm>> -> memref<5x128xi32, #tpu.memory_space<hbm>>
      %dma_wait3A_149 = arith.constant 0 : i32
      %dma_wait3A_150 = tpu.memref_slice %arg3[%dma_wait3A_145, %add3A_138, %dma_wait3A_149] : memref<2x25000x128xi32, #tpu.memory_space<hbm>> -> memref<1x5x128xi32, #tpu.memory_space<hbm>>
      %dma_wait3A_151 = tpu.memref_squeeze %dma_wait3A_150 : memref<1x5x128xi32, #tpu.memory_space<hbm>> -> memref<5x128xi32, #tpu.memory_space<hbm>>
      tpu.wait_dma2 semaphore(%arg16 : memref<!tpu.dma_semaphore, #tpu.memory_space<semaphore_mem>>) src(%dma_wait3A_151 : memref<5x128xi32, #tpu.memory_space<hbm>>) dst(%arg7 : memref<5x128xi32, #tpu.memory_space<vmem>>)
      %scan3A_152 = arith.constant 0 : i32
      %scan3A_153 = arith.constant 0 : i32
      %scan3A_154 = arith.constant 5 : i32
      %scan3A_155 = arith.addi %scan3A_153, %scan3A_154 : i32
      %scan3A_156 = arith.constant 1 : i32
      scf.for %scan3A_222 = %scan3A_153 to %scan3A_155 step %scan3A_156  : i32 {
        %mul3A_223 = arith.constant 128 : i32
        %mul3A_224 = arith.muli %scan3A_222, %mul3A_223 : i32
        %dma_start3A_225 = arith.constant 0 : i32
        %dma_start3A_226 = tpu.memref_slice %arg8[%mul3A_224, %dma_start3A_225] : memref<640x16xf32, #tpu.memory_space<vmem>> -> memref<128x16xf32, #tpu.memory_space<vmem>>
        %dma_start3A_227 = arith.constant 0 : i32
        %dma_start3A_228 = tpu.memref_slice %arg6[%scan3A_222, %dma_start3A_227] : memref<5x128xi32, #tpu.memory_space<vmem>> -> memref<1x128xi32, #tpu.memory_space<vmem>>
        %dma_start3A_229 = tpu.memref_squeeze %dma_start3A_228 : memref<1x128xi32, #tpu.memory_space<vmem>> -> memref<128xi32, #tpu.memory_space<vmem>>
        %dma_start3A_230 = arith.constant 0 : i32
        %dma_start3A_231 = arith.constant 0 : i32
        %dma_start3A_232 = tpu.memref_slice %arg2[%dma_start3A_230, %dma_start3A_231] : memref<100000x16xf32, #tpu.memory_space<hbm>> -> memref<100000x16xf32, #tpu.memory_space<hbm>>
        tpu.enqueue_indirect_dma source(%dma_start3A_232 : memref<100000x16xf32, #tpu.memory_space<hbm>>) target(%dma_start3A_226 : memref<128x16xf32, #tpu.memory_space<vmem>>) offsets(%dma_start3A_229 : memref<128xi32, #tpu.memory_space<vmem>>) semaphore(%arg17 : memref<!tpu.dma_semaphore, #tpu.memory_space<semaphore_mem>>)
      }
      %scan3A_157 = arith.constant 5 : i32
      %mul3A_158 = arith.constant 5 : i32
      %mul3A_159 = arith.muli %add3A_110, %mul3A_158 : i32
      %add3A_160 = arith.addi %add3A_30, %mul3A_159 : i32
      %dma_start3A_161 = arith.constant 0 : i32
      %dma_start3A_162 = arith.constant 0 : i32
      %dma_start3A_163 = tpu.memref_slice %arg3[%dma_start3A_161, %add3A_160, %dma_start3A_162] : memref<2x25000x128xi32, #tpu.memory_space<hbm>> -> memref<1x5x128xi32, #tpu.memory_space<hbm>>
      %dma_start3A_164 = tpu.memref_squeeze %dma_start3A_163 : memref<1x5x128xi32, #tpu.memory_space<hbm>> -> memref<5x128xi32, #tpu.memory_space<hbm>>
      %dma_start3A_165 = arith.constant 0 : i32
      %dma_start3A_166 = tpu.memref_slice %arg3[%dma_start3A_161, %add3A_160, %dma_start3A_165] : memref<2x25000x128xi32, #tpu.memory_space<hbm>> -> memref<1x5x128xi32, #tpu.memory_space<hbm>>
      %dma_start3A_167 = tpu.memref_squeeze %dma_start3A_166 : memref<1x5x128xi32, #tpu.memory_space<hbm>> -> memref<5x128xi32, #tpu.memory_space<hbm>>
      tpu.enqueue_dma source(%dma_start3A_167 : memref<5x128xi32, #tpu.memory_space<hbm>>) target(%arg9 : memref<5x128xi32, #tpu.memory_space<vmem>>) target_semaphore(%arg20 : memref<!tpu.dma_semaphore, #tpu.memory_space<semaphore_mem>>)
      %dma_start3A_168 = arith.constant 1 : i32
      %dma_start3A_169 = arith.constant 0 : i32
      %dma_start3A_170 = tpu.memref_slice %arg3[%dma_start3A_168, %add3A_160, %dma_start3A_169] : memref<2x25000x128xi32, #tpu.memory_space<hbm>> -> memref<1x5x128xi32, #tpu.memory_space<hbm>>
      %dma_start3A_171 = tpu.memref_squeeze %dma_start3A_170 : memref<1x5x128xi32, #tpu.memory_space<hbm>> -> memref<5x128xi32, #tpu.memory_space<hbm>>
      %dma_start3A_172 = arith.constant 0 : i32
      %dma_start3A_173 = tpu.memref_slice %arg3[%dma_start3A_168, %add3A_160, %dma_start3A_172] : memref<2x25000x128xi32, #tpu.memory_space<hbm>> -> memref<1x5x128xi32, #tpu.memory_space<hbm>>
      %dma_start3A_174 = tpu.memref_squeeze %dma_start3A_173 : memref<1x5x128xi32, #tpu.memory_space<hbm>> -> memref<5x128xi32, #tpu.memory_space<hbm>>
      tpu.enqueue_dma source(%dma_start3A_174 : memref<5x128xi32, #tpu.memory_space<hbm>>) target(%arg10 : memref<5x128xi32, #tpu.memory_space<vmem>>) target_semaphore(%arg20 : memref<!tpu.dma_semaphore, #tpu.memory_space<semaphore_mem>>)
      %scan3A_175 = arith.constant 0 : i32
      %scan3A_176 = arith.constant 0 : i32
      %scan3A_177 = arith.constant 5 : i32
      %scan3A_178 = arith.addi %scan3A_176, %scan3A_177 : i32
      %scan3A_179 = arith.constant 1 : i32
      scf.for %scan3A_222 = %scan3A_176 to %scan3A_178 step %scan3A_179  : i32 {
        %mul3A_223 = arith.constant 128 : i32
        %mul3A_224 = arith.muli %scan3A_222, %mul3A_223 : i32
        %dma_wait3A_225 = arith.constant 0 : i32
        %dma_wait3A_226 = tpu.memref_slice %arg8[%mul3A_224, %dma_wait3A_225] : memref<640x16xf32, #tpu.memory_space<vmem>> -> memref<128x16xf32, #tpu.memory_space<vmem>>
        %dma_wait3A_227 = arith.constant 0 : i32
        %dma_wait3A_228 = tpu.memref_slice %arg6[%scan3A_222, %dma_wait3A_227] : memref<5x128xi32, #tpu.memory_space<vmem>> -> memref<1x128xi32, #tpu.memory_space<vmem>>
        %dma_wait3A_229 = tpu.memref_squeeze %dma_wait3A_228 : memref<1x128xi32, #tpu.memory_space<vmem>> -> memref<128xi32, #tpu.memory_space<vmem>>
        %dma_wait3A_230 = arith.constant 0 : i32
        %dma_wait3A_231 = arith.constant 0 : i32
        %dma_wait3A_232 = tpu.memref_slice %arg2[%dma_wait3A_230, %dma_wait3A_231] : memref<100000x16xf32, #tpu.memory_space<hbm>> -> memref<100000x16xf32, #tpu.memory_space<hbm>>
        tpu.wait_indirect_dma semaphore(%arg17 : memref<!tpu.dma_semaphore, #tpu.memory_space<semaphore_mem>>) src(%dma_wait3A_232 : memref<100000x16xf32, #tpu.memory_space<hbm>>) dst(%dma_wait3A_226 : memref<128x16xf32, #tpu.memory_space<vmem>>)
      }
      %scan3A_180 = arith.constant 5 : i32
      %scan3A_181 = arith.constant 0 : i32
      %scan3A_182 = arith.constant 0 : i32
      %scan3A_183 = arith.constant 5 : i32
      %scan3A_184 = arith.addi %scan3A_182, %scan3A_183 : i32
      %scan3A_185 = arith.constant 1 : i32
      scf.for %scan3A_222 = %scan3A_182 to %scan3A_184 step %scan3A_185  : i32 {
        %mul3A_223 = arith.constant 128 : i32
        %mul3A_224 = arith.muli %scan3A_222, %mul3A_223 : i32
        %dma_start3A_225 = arith.constant 0 : i32
        %dma_start3A_226 = tpu.memref_slice %arg8[%mul3A_224, %dma_start3A_225] : memref<640x16xf32, #tpu.memory_space<vmem>> -> memref<128x16xf32, #tpu.memory_space<vmem>>
        %dma_start3A_227 = arith.constant 0 : i32
        %dma_start3A_228 = tpu.memref_slice %arg7[%scan3A_222, %dma_start3A_227] : memref<5x128xi32, #tpu.memory_space<vmem>> -> memref<1x128xi32, #tpu.memory_space<vmem>>
        %dma_start3A_229 = tpu.memref_squeeze %dma_start3A_228 : memref<1x128xi32, #tpu.memory_space<vmem>> -> memref<128xi32, #tpu.memory_space<vmem>>
        %dma_start3A_230 = arith.constant 0 : i32
        %dma_start3A_231 = arith.constant 0 : i32
        %dma_start3A_232 = tpu.memref_slice %arg14[%dma_start3A_230, %dma_start3A_231] : memref<100096x16xf32, #tpu.memory_space<vmem_shared>> -> memref<100096x16xf32, #tpu.memory_space<vmem_shared>>
        tpu.enqueue_indirect_dma source(%dma_start3A_226 : memref<128x16xf32, #tpu.memory_space<vmem>>) target(%dma_start3A_232 : memref<100096x16xf32, #tpu.memory_space<vmem_shared>>) offsets(%dma_start3A_229 : memref<128xi32, #tpu.memory_space<vmem>>) semaphore(%arg18 : memref<!tpu.dma_semaphore, #tpu.memory_space<semaphore_mem>>) {add = true}
        %dma_start3A_233 = arith.constant 0 : i32
        %dma_start3A_234 = tpu.memref_slice %arg7[%scan3A_222, %dma_start3A_233] : memref<5x128xi32, #tpu.memory_space<vmem>> -> memref<1x128xi32, #tpu.memory_space<vmem>>
        %dma_start3A_235 = tpu.memref_squeeze %dma_start3A_234 : memref<1x128xi32, #tpu.memory_space<vmem>> -> memref<128xi32, #tpu.memory_space<vmem>>
        %dma_start3A_236 = arith.constant 0 : i32
        %dma_start3A_237 = tpu.memref_slice %arg15[%dma_start3A_236] : memref<100096xf32, #tpu.memory_space<vmem_shared>> -> memref<100096xf32, #tpu.memory_space<vmem_shared>>
        tpu.enqueue_indirect_dma source(%arg12 : memref<128xf32, #tpu.memory_space<vmem>>) target(%dma_start3A_237 : memref<100096xf32, #tpu.memory_space<vmem_shared>>) offsets(%dma_start3A_235 : memref<128xi32, #tpu.memory_space<vmem>>) semaphore(%arg19 : memref<!tpu.dma_semaphore, #tpu.memory_space<semaphore_mem>>) {add = true}
      }
      %scan3A_186 = arith.constant 5 : i32
      %mul3A_187 = arith.constant 5 : i32
      %mul3A_188 = arith.muli %add3A_110, %mul3A_187 : i32
      %add3A_189 = arith.addi %add3A_30, %mul3A_188 : i32
      %dma_wait3A_190 = arith.constant 0 : i32
      %dma_wait3A_191 = arith.constant 0 : i32
      %dma_wait3A_192 = tpu.memref_slice %arg3[%dma_wait3A_190, %add3A_189, %dma_wait3A_191] : memref<2x25000x128xi32, #tpu.memory_space<hbm>> -> memref<1x5x128xi32, #tpu.memory_space<hbm>>
      %dma_wait3A_193 = tpu.memref_squeeze %dma_wait3A_192 : memref<1x5x128xi32, #tpu.memory_space<hbm>> -> memref<5x128xi32, #tpu.memory_space<hbm>>
      %dma_wait3A_194 = arith.constant 0 : i32
      %dma_wait3A_195 = tpu.memref_slice %arg3[%dma_wait3A_190, %add3A_189, %dma_wait3A_194] : memref<2x25000x128xi32, #tpu.memory_space<hbm>> -> memref<1x5x128xi32, #tpu.memory_space<hbm>>
      %dma_wait3A_196 = tpu.memref_squeeze %dma_wait3A_195 : memref<1x5x128xi32, #tpu.memory_space<hbm>> -> memref<5x128xi32, #tpu.memory_space<hbm>>
      tpu.wait_dma2 semaphore(%arg20 : memref<!tpu.dma_semaphore, #tpu.memory_space<semaphore_mem>>) src(%dma_wait3A_196 : memref<5x128xi32, #tpu.memory_space<hbm>>) dst(%arg9 : memref<5x128xi32, #tpu.memory_space<vmem>>)
      %dma_wait3A_197 = arith.constant 1 : i32
      %dma_wait3A_198 = arith.constant 0 : i32
      %dma_wait3A_199 = tpu.memref_slice %arg3[%dma_wait3A_197, %add3A_189, %dma_wait3A_198] : memref<2x25000x128xi32, #tpu.memory_space<hbm>> -> memref<1x5x128xi32, #tpu.memory_space<hbm>>
      %dma_wait3A_200 = tpu.memref_squeeze %dma_wait3A_199 : memref<1x5x128xi32, #tpu.memory_space<hbm>> -> memref<5x128xi32, #tpu.memory_space<hbm>>
      %dma_wait3A_201 = arith.constant 0 : i32
      %dma_wait3A_202 = tpu.memref_slice %arg3[%dma_wait3A_197, %add3A_189, %dma_wait3A_201] : memref<2x25000x128xi32, #tpu.memory_space<hbm>> -> memref<1x5x128xi32, #tpu.memory_space<hbm>>
      %dma_wait3A_203 = tpu.memref_squeeze %dma_wait3A_202 : memref<1x5x128xi32, #tpu.memory_space<hbm>> -> memref<5x128xi32, #tpu.memory_space<hbm>>
      tpu.wait_dma2 semaphore(%arg20 : memref<!tpu.dma_semaphore, #tpu.memory_space<semaphore_mem>>) src(%dma_wait3A_203 : memref<5x128xi32, #tpu.memory_space<hbm>>) dst(%arg10 : memref<5x128xi32, #tpu.memory_space<vmem>>)
      %scan3A_204 = arith.constant 0 : i32
      %scan3A_205 = arith.constant 0 : i32
      %scan3A_206 = arith.constant 5 : i32
      %scan3A_207 = arith.addi %scan3A_205, %scan3A_206 : i32
      %scan3A_208 = arith.constant 1 : i32
      scf.for %scan3A_222 = %scan3A_205 to %scan3A_207 step %scan3A_208  : i32 {
        %mul3A_223 = arith.constant 128 : i32
        %mul3A_224 = arith.muli %scan3A_222, %mul3A_223 : i32
        %dma_start3A_225 = arith.constant 0 : i32
        %dma_start3A_226 = tpu.memref_slice %arg11[%mul3A_224, %dma_start3A_225] : memref<640x16xf32, #tpu.memory_space<vmem>> -> memref<128x16xf32, #tpu.memory_space<vmem>>
        %dma_start3A_227 = arith.constant 0 : i32
        %dma_start3A_228 = tpu.memref_slice %arg9[%scan3A_222, %dma_start3A_227] : memref<5x128xi32, #tpu.memory_space<vmem>> -> memref<1x128xi32, #tpu.memory_space<vmem>>
        %dma_start3A_229 = tpu.memref_squeeze %dma_start3A_228 : memref<1x128xi32, #tpu.memory_space<vmem>> -> memref<128xi32, #tpu.memory_space<vmem>>
        %dma_start3A_230 = arith.constant 0 : i32
        %dma_start3A_231 = arith.constant 0 : i32
        %dma_start3A_232 = tpu.memref_slice %arg2[%dma_start3A_230, %dma_start3A_231] : memref<100000x16xf32, #tpu.memory_space<hbm>> -> memref<100000x16xf32, #tpu.memory_space<hbm>>
        tpu.enqueue_indirect_dma source(%dma_start3A_232 : memref<100000x16xf32, #tpu.memory_space<hbm>>) target(%dma_start3A_226 : memref<128x16xf32, #tpu.memory_space<vmem>>) offsets(%dma_start3A_229 : memref<128xi32, #tpu.memory_space<vmem>>) semaphore(%arg21 : memref<!tpu.dma_semaphore, #tpu.memory_space<semaphore_mem>>)
      }
      %scan3A_209 = arith.constant 5 : i32
      %scan3A_210 = arith.constant 0 : i32
      %scan3A_211 = arith.constant 0 : i32
      %scan3A_212 = arith.constant 5 : i32
      %scan3A_213 = arith.addi %scan3A_211, %scan3A_212 : i32
      %scan3A_214 = arith.constant 1 : i32
      scf.for %scan3A_222 = %scan3A_211 to %scan3A_213 step %scan3A_214  : i32 {
        %mul3A_223 = arith.constant 128 : i32
        %mul3A_224 = arith.muli %scan3A_222, %mul3A_223 : i32
        %dma_wait3A_225 = arith.constant 0 : i32
        %dma_wait3A_226 = tpu.memref_slice %arg11[%mul3A_224, %dma_wait3A_225] : memref<640x16xf32, #tpu.memory_space<vmem>> -> memref<128x16xf32, #tpu.memory_space<vmem>>
        %dma_wait3A_227 = arith.constant 0 : i32
        %dma_wait3A_228 = tpu.memref_slice %arg9[%scan3A_222, %dma_wait3A_227] : memref<5x128xi32, #tpu.memory_space<vmem>> -> memref<1x128xi32, #tpu.memory_space<vmem>>
        %dma_wait3A_229 = tpu.memref_squeeze %dma_wait3A_228 : memref<1x128xi32, #tpu.memory_space<vmem>> -> memref<128xi32, #tpu.memory_space<vmem>>
        %dma_wait3A_230 = arith.constant 0 : i32
        %dma_wait3A_231 = arith.constant 0 : i32
        %dma_wait3A_232 = tpu.memref_slice %arg2[%dma_wait3A_230, %dma_wait3A_231] : memref<100000x16xf32, #tpu.memory_space<hbm>> -> memref<100000x16xf32, #tpu.memory_space<hbm>>
        tpu.wait_indirect_dma semaphore(%arg21 : memref<!tpu.dma_semaphore, #tpu.memory_space<semaphore_mem>>) src(%dma_wait3A_232 : memref<100000x16xf32, #tpu.memory_space<hbm>>) dst(%dma_wait3A_226 : memref<128x16xf32, #tpu.memory_space<vmem>>)
      }
      %scan3A_215 = arith.constant 5 : i32
      %scan3A_216 = arith.constant 0 : i32
      %scan3A_217 = arith.constant 0 : i32
      %scan3A_218 = arith.constant 5 : i32
      %scan3A_219 = arith.addi %scan3A_217, %scan3A_218 : i32
      %scan3A_220 = arith.constant 1 : i32
      scf.for %scan3A_222 = %scan3A_217 to %scan3A_219 step %scan3A_220  : i32 {
        %mul3A_223 = arith.constant 128 : i32
        %mul3A_224 = arith.muli %scan3A_222, %mul3A_223 : i32
        %dma_start3A_225 = arith.constant 0 : i32
        %dma_start3A_226 = tpu.memref_slice %arg11[%mul3A_224, %dma_start3A_225] : memref<640x16xf32, #tpu.memory_space<vmem>> -> memref<128x16xf32, #tpu.memory_space<vmem>>
        %dma_start3A_227 = arith.constant 0 : i32
        %dma_start3A_228 = tpu.memref_slice %arg10[%scan3A_222, %dma_start3A_227] : memref<5x128xi32, #tpu.memory_space<vmem>> -> memref<1x128xi32, #tpu.memory_space<vmem>>
        %dma_start3A_229 = tpu.memref_squeeze %dma_start3A_228 : memref<1x128xi32, #tpu.memory_space<vmem>> -> memref<128xi32, #tpu.memory_space<vmem>>
        %dma_start3A_230 = arith.constant 0 : i32
        %dma_start3A_231 = arith.constant 0 : i32
        %dma_start3A_232 = tpu.memref_slice %arg14[%dma_start3A_230, %dma_start3A_231] : memref<100096x16xf32, #tpu.memory_space<vmem_shared>> -> memref<100096x16xf32, #tpu.memory_space<vmem_shared>>
        tpu.enqueue_indirect_dma source(%dma_start3A_226 : memref<128x16xf32, #tpu.memory_space<vmem>>) target(%dma_start3A_232 : memref<100096x16xf32, #tpu.memory_space<vmem_shared>>) offsets(%dma_start3A_229 : memref<128xi32, #tpu.memory_space<vmem>>) semaphore(%arg22 : memref<!tpu.dma_semaphore, #tpu.memory_space<semaphore_mem>>) {add = true}
        %dma_start3A_233 = arith.constant 0 : i32
        %dma_start3A_234 = tpu.memref_slice %arg10[%scan3A_222, %dma_start3A_233] : memref<5x128xi32, #tpu.memory_space<vmem>> -> memref<1x128xi32, #tpu.memory_space<vmem>>
        %dma_start3A_235 = tpu.memref_squeeze %dma_start3A_234 : memref<1x128xi32, #tpu.memory_space<vmem>> -> memref<128xi32, #tpu.memory_space<vmem>>
        %dma_start3A_236 = arith.constant 0 : i32
        %dma_start3A_237 = tpu.memref_slice %arg15[%dma_start3A_236] : memref<100096xf32, #tpu.memory_space<vmem_shared>> -> memref<100096xf32, #tpu.memory_space<vmem_shared>>
        tpu.enqueue_indirect_dma source(%arg12 : memref<128xf32, #tpu.memory_space<vmem>>) target(%dma_start3A_237 : memref<100096xf32, #tpu.memory_space<vmem_shared>>) offsets(%dma_start3A_235 : memref<128xi32, #tpu.memory_space<vmem>>) semaphore(%arg23 : memref<!tpu.dma_semaphore, #tpu.memory_space<semaphore_mem>>) {add = true}
      }
      %scan3A_221 = arith.constant 5 : i32
    }
    %scan3A_36 = arith.constant 78 : i32
    %scan3A_37 = arith.constant 0 : i32
    %scan3A_38 = arith.constant 0 : i32
    %scan3A_39 = arith.constant 5 : i32
    %scan3A_40 = arith.addi %scan3A_38, %scan3A_39 : i32
    %scan3A_41 = arith.constant 1 : i32
    scf.for %scan3A_104 = %scan3A_38 to %scan3A_40 step %scan3A_41  : i32 {
      %mul3A_105 = arith.constant 128 : i32
      %mul3A_106 = arith.muli %scan3A_104, %mul3A_105 : i32
      %dma_wait3A = arith.constant 0 : i32
      %dma_wait3A_107 = tpu.memref_slice %arg8[%mul3A_106, %dma_wait3A] : memref<640x16xf32, #tpu.memory_space<vmem>> -> memref<128x16xf32, #tpu.memory_space<vmem>>
      %dma_wait3A_108 = arith.constant 0 : i32
      %dma_wait3A_109 = tpu.memref_slice %arg7[%scan3A_104, %dma_wait3A_108] : memref<5x128xi32, #tpu.memory_space<vmem>> -> memref<1x128xi32, #tpu.memory_space<vmem>>
      %dma_wait3A_110 = tpu.memref_squeeze %dma_wait3A_109 : memref<1x128xi32, #tpu.memory_space<vmem>> -> memref<128xi32, #tpu.memory_space<vmem>>
      %dma_wait3A_111 = arith.constant 0 : i32
      %dma_wait3A_112 = arith.constant 0 : i32
      %dma_wait3A_113 = tpu.memref_slice %arg14[%dma_wait3A_111, %dma_wait3A_112] : memref<100096x16xf32, #tpu.memory_space<vmem_shared>> -> memref<100096x16xf32, #tpu.memory_space<vmem_shared>>
      tpu.wait_indirect_dma semaphore(%arg18 : memref<!tpu.dma_semaphore, #tpu.memory_space<semaphore_mem>>) src(%dma_wait3A_107 : memref<128x16xf32, #tpu.memory_space<vmem>>) dst(%dma_wait3A_113 : memref<100096x16xf32, #tpu.memory_space<vmem_shared>>)
      %dma_wait3A_114 = arith.constant 0 : i32
      %dma_wait3A_115 = tpu.memref_slice %arg7[%scan3A_104, %dma_wait3A_114] : memref<5x128xi32, #tpu.memory_space<vmem>> -> memref<1x128xi32, #tpu.memory_space<vmem>>
      %dma_wait3A_116 = tpu.memref_squeeze %dma_wait3A_115 : memref<1x128xi32, #tpu.memory_space<vmem>> -> memref<128xi32, #tpu.memory_space<vmem>>
      %dma_wait3A_117 = arith.constant 0 : i32
      %dma_wait3A_118 = tpu.memref_slice %arg15[%dma_wait3A_117] : memref<100096xf32, #tpu.memory_space<vmem_shared>> -> memref<100096xf32, #tpu.memory_space<vmem_shared>>
      tpu.wait_indirect_dma semaphore(%arg19 : memref<!tpu.dma_semaphore, #tpu.memory_space<semaphore_mem>>) src(%arg12 : memref<128xf32, #tpu.memory_space<vmem>>) dst(%dma_wait3A_118 : memref<100096xf32, #tpu.memory_space<vmem_shared>>)
    }
    %scan3A_42 = arith.constant 5 : i32
    %scan3A_43 = arith.constant 0 : i32
    %scan3A_44 = arith.constant 0 : i32
    %scan3A_45 = arith.constant 5 : i32
    %scan3A_46 = arith.addi %scan3A_44, %scan3A_45 : i32
    %scan3A_47 = arith.constant 1 : i32
    scf.for %scan3A_104 = %scan3A_44 to %scan3A_46 step %scan3A_47  : i32 {
      %mul3A_105 = arith.constant 128 : i32
      %mul3A_106 = arith.muli %scan3A_104, %mul3A_105 : i32
      %dma_wait3A = arith.constant 0 : i32
      %dma_wait3A_107 = tpu.memref_slice %arg11[%mul3A_106, %dma_wait3A] : memref<640x16xf32, #tpu.memory_space<vmem>> -> memref<128x16xf32, #tpu.memory_space<vmem>>
      %dma_wait3A_108 = arith.constant 0 : i32
      %dma_wait3A_109 = tpu.memref_slice %arg10[%scan3A_104, %dma_wait3A_108] : memref<5x128xi32, #tpu.memory_space<vmem>> -> memref<1x128xi32, #tpu.memory_space<vmem>>
      %dma_wait3A_110 = tpu.memref_squeeze %dma_wait3A_109 : memref<1x128xi32, #tpu.memory_space<vmem>> -> memref<128xi32, #tpu.memory_space<vmem>>
      %dma_wait3A_111 = arith.constant 0 : i32
      %dma_wait3A_112 = arith.constant 0 : i32
      %dma_wait3A_113 = tpu.memref_slice %arg14[%dma_wait3A_111, %dma_wait3A_112] : memref<100096x16xf32, #tpu.memory_space<vmem_shared>> -> memref<100096x16xf32, #tpu.memory_space<vmem_shared>>
      tpu.wait_indirect_dma semaphore(%arg22 : memref<!tpu.dma_semaphore, #tpu.memory_space<semaphore_mem>>) src(%dma_wait3A_107 : memref<128x16xf32, #tpu.memory_space<vmem>>) dst(%dma_wait3A_113 : memref<100096x16xf32, #tpu.memory_space<vmem_shared>>)
      %dma_wait3A_114 = arith.constant 0 : i32
      %dma_wait3A_115 = tpu.memref_slice %arg10[%scan3A_104, %dma_wait3A_114] : memref<5x128xi32, #tpu.memory_space<vmem>> -> memref<1x128xi32, #tpu.memory_space<vmem>>
      %dma_wait3A_116 = tpu.memref_squeeze %dma_wait3A_115 : memref<1x128xi32, #tpu.memory_space<vmem>> -> memref<128xi32, #tpu.memory_space<vmem>>
      %dma_wait3A_117 = arith.constant 0 : i32
      %dma_wait3A_118 = tpu.memref_slice %arg15[%dma_wait3A_117] : memref<100096xf32, #tpu.memory_space<vmem_shared>> -> memref<100096xf32, #tpu.memory_space<vmem_shared>>
      tpu.wait_indirect_dma semaphore(%arg23 : memref<!tpu.dma_semaphore, #tpu.memory_space<semaphore_mem>>) src(%arg12 : memref<128xf32, #tpu.memory_space<vmem>>) dst(%dma_wait3A_118 : memref<100096xf32, #tpu.memory_space<vmem_shared>>)
    }
    %scan3A_48 = arith.constant 5 : i32
    %add3A_49 = arith.constant 780 : i32
    %add3A_50 = arith.addi %add3A_30, %add3A_49 : i32
    %add3A_51 = arith.constant 0 : i32
    %add3A_52 = arith.addi %add3A_50, %add3A_51 : i32
    %run_scoped3A = arith.constant 0 : i32
    %run_scoped3A_53 = arith.constant 0 : i32
    "tpu.region"() ({
      %run_scoped3A_104 = tpu.sem_alloc : memref<!tpu.dma_semaphore, #tpu.memory_space<semaphore_mem>>
      %dma_start3A = arith.constant 0 : i32
      %dma_start3A_105 = tpu.memref_slice %arg9[%run_scoped3A_53, %dma_start3A] : memref<5x128xi32, #tpu.memory_space<vmem>> -> memref<1x128xi32, #tpu.memory_space<vmem>>
      %dma_start3A_106 = tpu.memref_squeeze %dma_start3A_105 : memref<1x128xi32, #tpu.memory_space<vmem>> -> memref<128xi32, #tpu.memory_space<vmem>>
      %dma_start3A_107 = arith.constant 0 : i32
      %dma_start3A_108 = tpu.memref_slice %arg3[%run_scoped3A, %add3A_52, %dma_start3A_107] : memref<2x25000x128xi32, #tpu.memory_space<hbm>> -> memref<1x1x128xi32, #tpu.memory_space<hbm>>
      %dma_start3A_109 = tpu.memref_squeeze %dma_start3A_108 : memref<1x1x128xi32, #tpu.memory_space<hbm>> -> memref<128xi32, #tpu.memory_space<hbm>>
      %dma_start3A_110 = arith.constant 0 : i32
      %dma_start3A_111 = tpu.memref_slice %arg9[%run_scoped3A_53, %dma_start3A_110] : memref<5x128xi32, #tpu.memory_space<vmem>> -> memref<1x128xi32, #tpu.memory_space<vmem>>
      %dma_start3A_112 = tpu.memref_squeeze %dma_start3A_111 : memref<1x128xi32, #tpu.memory_space<vmem>> -> memref<128xi32, #tpu.memory_space<vmem>>
      %dma_start3A_113 = arith.constant 0 : i32
      %dma_start3A_114 = tpu.memref_slice %arg3[%run_scoped3A, %add3A_52, %dma_start3A_113] : memref<2x25000x128xi32, #tpu.memory_space<hbm>> -> memref<1x1x128xi32, #tpu.memory_space<hbm>>
      %dma_start3A_115 = tpu.memref_squeeze %dma_start3A_114 : memref<1x1x128xi32, #tpu.memory_space<hbm>> -> memref<128xi32, #tpu.memory_space<hbm>>
      tpu.enqueue_dma source(%dma_start3A_115 : memref<128xi32, #tpu.memory_space<hbm>>) target(%dma_start3A_112 : memref<128xi32, #tpu.memory_space<vmem>>) target_semaphore(%run_scoped3A_104 : memref<!tpu.dma_semaphore, #tpu.memory_space<semaphore_mem>>)
      %dma_wait3A = arith.constant 0 : i32
      %dma_wait3A_116 = tpu.memref_slice %arg9[%run_scoped3A_53, %dma_wait3A] : memref<5x128xi32, #tpu.memory_space<vmem>> -> memref<1x128xi32, #tpu.memory_space<vmem>>
      %dma_wait3A_117 = tpu.memref_squeeze %dma_wait3A_116 : memref<1x128xi32, #tpu.memory_space<vmem>> -> memref<128xi32, #tpu.memory_space<vmem>>
      %dma_wait3A_118 = arith.constant 0 : i32
      %dma_wait3A_119 = tpu.memref_slice %arg3[%run_scoped3A, %add3A_52, %dma_wait3A_118] : memref<2x25000x128xi32, #tpu.memory_space<hbm>> -> memref<1x1x128xi32, #tpu.memory_space<hbm>>
      %dma_wait3A_120 = tpu.memref_squeeze %dma_wait3A_119 : memref<1x1x128xi32, #tpu.memory_space<hbm>> -> memref<128xi32, #tpu.memory_space<hbm>>
      %dma_wait3A_121 = arith.constant 0 : i32
      %dma_wait3A_122 = tpu.memref_slice %arg9[%run_scoped3A_53, %dma_wait3A_121] : memref<5x128xi32, #tpu.memory_space<vmem>> -> memref<1x128xi32, #tpu.memory_space<vmem>>
      %dma_wait3A_123 = tpu.memref_squeeze %dma_wait3A_122 : memref<1x128xi32, #tpu.memory_space<vmem>> -> memref<128xi32, #tpu.memory_space<vmem>>
      %dma_wait3A_124 = arith.constant 0 : i32
      %dma_wait3A_125 = tpu.memref_slice %arg3[%run_scoped3A, %add3A_52, %dma_wait3A_124] : memref<2x25000x128xi32, #tpu.memory_space<hbm>> -> memref<1x1x128xi32, #tpu.memory_space<hbm>>
      %dma_wait3A_126 = tpu.memref_squeeze %dma_wait3A_125 : memref<1x1x128xi32, #tpu.memory_space<hbm>> -> memref<128xi32, #tpu.memory_space<hbm>>
      tpu.wait_dma2 semaphore(%run_scoped3A_104 : memref<!tpu.dma_semaphore, #tpu.memory_space<semaphore_mem>>) src(%dma_wait3A_126 : memref<128xi32, #tpu.memory_space<hbm>>) dst(%dma_wait3A_123 : memref<128xi32, #tpu.memory_space<vmem>>)
      tpu.yield
    }) : () -> ()
    %run_scoped3A_54 = arith.constant 1 : i32
    %run_scoped3A_55 = arith.constant 0 : i32
    "tpu.region"() ({
      %run_scoped3A_104 = tpu.sem_alloc : memref<!tpu.dma_semaphore, #tpu.memory_space<semaphore_mem>>
      %dma_start3A = arith.constant 0 : i32
      %dma_start3A_105 = tpu.memref_slice %arg10[%run_scoped3A_55, %dma_start3A] : memref<5x128xi32, #tpu.memory_space<vmem>> -> memref<1x128xi32, #tpu.memory_space<vmem>>
      %dma_start3A_106 = tpu.memref_squeeze %dma_start3A_105 : memref<1x128xi32, #tpu.memory_space<vmem>> -> memref<128xi32, #tpu.memory_space<vmem>>
      %dma_start3A_107 = arith.constant 0 : i32
      %dma_start3A_108 = tpu.memref_slice %arg3[%run_scoped3A_54, %add3A_52, %dma_start3A_107] : memref<2x25000x128xi32, #tpu.memory_space<hbm>> -> memref<1x1x128xi32, #tpu.memory_space<hbm>>
      %dma_start3A_109 = tpu.memref_squeeze %dma_start3A_108 : memref<1x1x128xi32, #tpu.memory_space<hbm>> -> memref<128xi32, #tpu.memory_space<hbm>>
      %dma_start3A_110 = arith.constant 0 : i32
      %dma_start3A_111 = tpu.memref_slice %arg10[%run_scoped3A_55, %dma_start3A_110] : memref<5x128xi32, #tpu.memory_space<vmem>> -> memref<1x128xi32, #tpu.memory_space<vmem>>
      %dma_start3A_112 = tpu.memref_squeeze %dma_start3A_111 : memref<1x128xi32, #tpu.memory_space<vmem>> -> memref<128xi32, #tpu.memory_space<vmem>>
      %dma_start3A_113 = arith.constant 0 : i32
      %dma_start3A_114 = tpu.memref_slice %arg3[%run_scoped3A_54, %add3A_52, %dma_start3A_113] : memref<2x25000x128xi32, #tpu.memory_space<hbm>> -> memref<1x1x128xi32, #tpu.memory_space<hbm>>
      %dma_start3A_115 = tpu.memref_squeeze %dma_start3A_114 : memref<1x1x128xi32, #tpu.memory_space<hbm>> -> memref<128xi32, #tpu.memory_space<hbm>>
      tpu.enqueue_dma source(%dma_start3A_115 : memref<128xi32, #tpu.memory_space<hbm>>) target(%dma_start3A_112 : memref<128xi32, #tpu.memory_space<vmem>>) target_semaphore(%run_scoped3A_104 : memref<!tpu.dma_semaphore, #tpu.memory_space<semaphore_mem>>)
      %dma_wait3A = arith.constant 0 : i32
      %dma_wait3A_116 = tpu.memref_slice %arg10[%run_scoped3A_55, %dma_wait3A] : memref<5x128xi32, #tpu.memory_space<vmem>> -> memref<1x128xi32, #tpu.memory_space<vmem>>
      %dma_wait3A_117 = tpu.memref_squeeze %dma_wait3A_116 : memref<1x128xi32, #tpu.memory_space<vmem>> -> memref<128xi32, #tpu.memory_space<vmem>>
      %dma_wait3A_118 = arith.constant 0 : i32
      %dma_wait3A_119 = tpu.memref_slice %arg3[%run_scoped3A_54, %add3A_52, %dma_wait3A_118] : memref<2x25000x128xi32, #tpu.memory_space<hbm>> -> memref<1x1x128xi32, #tpu.memory_space<hbm>>
      %dma_wait3A_120 = tpu.memref_squeeze %dma_wait3A_119 : memref<1x1x128xi32, #tpu.memory_space<hbm>> -> memref<128xi32, #tpu.memory_space<hbm>>
      %dma_wait3A_121 = arith.constant 0 : i32
      %dma_wait3A_122 = tpu.memref_slice %arg10[%run_scoped3A_55, %dma_wait3A_121] : memref<5x128xi32, #tpu.memory_space<vmem>> -> memref<1x128xi32, #tpu.memory_space<vmem>>
      %dma_wait3A_123 = tpu.memref_squeeze %dma_wait3A_122 : memref<1x128xi32, #tpu.memory_space<vmem>> -> memref<128xi32, #tpu.memory_space<vmem>>
      %dma_wait3A_124 = arith.constant 0 : i32
      %dma_wait3A_125 = tpu.memref_slice %arg3[%run_scoped3A_54, %add3A_52, %dma_wait3A_124] : memref<2x25000x128xi32, #tpu.memory_space<hbm>> -> memref<1x1x128xi32, #tpu.memory_space<hbm>>
      %dma_wait3A_126 = tpu.memref_squeeze %dma_wait3A_125 : memref<1x1x128xi32, #tpu.memory_space<hbm>> -> memref<128xi32, #tpu.memory_space<hbm>>
      tpu.wait_dma2 semaphore(%run_scoped3A_104 : memref<!tpu.dma_semaphore, #tpu.memory_space<semaphore_mem>>) src(%dma_wait3A_126 : memref<128xi32, #tpu.memory_space<hbm>>) dst(%dma_wait3A_123 : memref<128xi32, #tpu.memory_space<vmem>>)
      tpu.yield
    }) : () -> ()
    %run_scoped3A_56 = arith.constant 0 : i32
    "tpu.region"() ({
      %run_scoped3A_104 = tpu.sem_alloc : memref<!tpu.dma_semaphore, #tpu.memory_space<semaphore_mem>>
      %dma_start3A = arith.constant 0 : i32
      %dma_start3A_105 = arith.constant 0 : i32
      %dma_start3A_106 = tpu.memref_slice %arg11[%dma_start3A, %dma_start3A_105] : memref<640x16xf32, #tpu.memory_space<vmem>> -> memref<128x16xf32, #tpu.memory_space<vmem>>
      %dma_start3A_107 = arith.constant 0 : i32
      %dma_start3A_108 = tpu.memref_slice %arg9[%run_scoped3A_56, %dma_start3A_107] : memref<5x128xi32, #tpu.memory_space<vmem>> -> memref<1x128xi32, #tpu.memory_space<vmem>>
      %dma_start3A_109 = tpu.memref_squeeze %dma_start3A_108 : memref<1x128xi32, #tpu.memory_space<vmem>> -> memref<128xi32, #tpu.memory_space<vmem>>
      %dma_start3A_110 = arith.constant 0 : i32
      %dma_start3A_111 = arith.constant 0 : i32
      %dma_start3A_112 = tpu.memref_slice %arg2[%dma_start3A_110, %dma_start3A_111] : memref<100000x16xf32, #tpu.memory_space<hbm>> -> memref<100000x16xf32, #tpu.memory_space<hbm>>
      tpu.enqueue_indirect_dma source(%dma_start3A_112 : memref<100000x16xf32, #tpu.memory_space<hbm>>) target(%dma_start3A_106 : memref<128x16xf32, #tpu.memory_space<vmem>>) offsets(%dma_start3A_109 : memref<128xi32, #tpu.memory_space<vmem>>) semaphore(%run_scoped3A_104 : memref<!tpu.dma_semaphore, #tpu.memory_space<semaphore_mem>>)
      %dma_wait3A = arith.constant 0 : i32
      %dma_wait3A_113 = arith.constant 0 : i32
      %dma_wait3A_114 = tpu.memref_slice %arg11[%dma_wait3A, %dma_wait3A_113] : memref<640x16xf32, #tpu.memory_space<vmem>> -> memref<128x16xf32, #tpu.memory_space<vmem>>
      %dma_wait3A_115 = arith.constant 0 : i32
      %dma_wait3A_116 = tpu.memref_slice %arg9[%run_scoped3A_56, %dma_wait3A_115] : memref<5x128xi32, #tpu.memory_space<vmem>> -> memref<1x128xi32, #tpu.memory_space<vmem>>
      %dma_wait3A_117 = tpu.memref_squeeze %dma_wait3A_116 : memref<1x128xi32, #tpu.memory_space<vmem>> -> memref<128xi32, #tpu.memory_space<vmem>>
      %dma_wait3A_118 = arith.constant 0 : i32
      %dma_wait3A_119 = arith.constant 0 : i32
      %dma_wait3A_120 = tpu.memref_slice %arg2[%dma_wait3A_118, %dma_wait3A_119] : memref<100000x16xf32, #tpu.memory_space<hbm>> -> memref<100000x16xf32, #tpu.memory_space<hbm>>
      tpu.wait_indirect_dma semaphore(%run_scoped3A_104 : memref<!tpu.dma_semaphore, #tpu.memory_space<semaphore_mem>>) src(%dma_wait3A_120 : memref<100000x16xf32, #tpu.memory_space<hbm>>) dst(%dma_wait3A_114 : memref<128x16xf32, #tpu.memory_space<vmem>>)
      tpu.yield
    }) : () -> ()
    %run_scoped3A_57 = arith.constant 0 : i32
    "tpu.region"() ({
      %run_scoped3A_104 = tpu.sem_alloc : memref<!tpu.dma_semaphore, #tpu.memory_space<semaphore_mem>>
      %dma_start3A = arith.constant 0 : i32
      %dma_start3A_105 = arith.constant 0 : i32
      %dma_start3A_106 = tpu.memref_slice %arg11[%dma_start3A, %dma_start3A_105] : memref<640x16xf32, #tpu.memory_space<vmem>> -> memref<128x16xf32, #tpu.memory_space<vmem>>
      %dma_start3A_107 = arith.constant 0 : i32
      %dma_start3A_108 = tpu.memref_slice %arg10[%run_scoped3A_57, %dma_start3A_107] : memref<5x128xi32, #tpu.memory_space<vmem>> -> memref<1x128xi32, #tpu.memory_space<vmem>>
      %dma_start3A_109 = tpu.memref_squeeze %dma_start3A_108 : memref<1x128xi32, #tpu.memory_space<vmem>> -> memref<128xi32, #tpu.memory_space<vmem>>
      %dma_start3A_110 = arith.constant 0 : i32
      %dma_start3A_111 = arith.constant 0 : i32
      %dma_start3A_112 = tpu.memref_slice %arg14[%dma_start3A_110, %dma_start3A_111] : memref<100096x16xf32, #tpu.memory_space<vmem_shared>> -> memref<100096x16xf32, #tpu.memory_space<vmem_shared>>
      tpu.enqueue_indirect_dma source(%dma_start3A_106 : memref<128x16xf32, #tpu.memory_space<vmem>>) target(%dma_start3A_112 : memref<100096x16xf32, #tpu.memory_space<vmem_shared>>) offsets(%dma_start3A_109 : memref<128xi32, #tpu.memory_space<vmem>>) semaphore(%run_scoped3A_104 : memref<!tpu.dma_semaphore, #tpu.memory_space<semaphore_mem>>) {add = true}
      %dma_wait3A = arith.constant 0 : i32
      %dma_wait3A_113 = arith.constant 0 : i32
      %dma_wait3A_114 = tpu.memref_slice %arg11[%dma_wait3A, %dma_wait3A_113] : memref<640x16xf32, #tpu.memory_space<vmem>> -> memref<128x16xf32, #tpu.memory_space<vmem>>
      %dma_wait3A_115 = arith.constant 0 : i32
      %dma_wait3A_116 = tpu.memref_slice %arg10[%run_scoped3A_57, %dma_wait3A_115] : memref<5x128xi32, #tpu.memory_space<vmem>> -> memref<1x128xi32, #tpu.memory_space<vmem>>
      %dma_wait3A_117 = tpu.memref_squeeze %dma_wait3A_116 : memref<1x128xi32, #tpu.memory_space<vmem>> -> memref<128xi32, #tpu.memory_space<vmem>>
      %dma_wait3A_118 = arith.constant 0 : i32
      %dma_wait3A_119 = arith.constant 0 : i32
      %dma_wait3A_120 = tpu.memref_slice %arg14[%dma_wait3A_118, %dma_wait3A_119] : memref<100096x16xf32, #tpu.memory_space<vmem_shared>> -> memref<100096x16xf32, #tpu.memory_space<vmem_shared>>
      tpu.wait_indirect_dma semaphore(%run_scoped3A_104 : memref<!tpu.dma_semaphore, #tpu.memory_space<semaphore_mem>>) src(%dma_wait3A_114 : memref<128x16xf32, #tpu.memory_space<vmem>>) dst(%dma_wait3A_120 : memref<100096x16xf32, #tpu.memory_space<vmem_shared>>)
      tpu.yield
    }) : () -> ()
    %run_scoped3A_58 = arith.constant 0 : i32
    "tpu.region"() ({
      %run_scoped3A_104 = tpu.sem_alloc : memref<!tpu.dma_semaphore, #tpu.memory_space<semaphore_mem>>
      %dma_start3A = arith.constant 0 : i32
      %dma_start3A_105 = tpu.memref_slice %arg10[%run_scoped3A_58, %dma_start3A] : memref<5x128xi32, #tpu.memory_space<vmem>> -> memref<1x128xi32, #tpu.memory_space<vmem>>
      %dma_start3A_106 = tpu.memref_squeeze %dma_start3A_105 : memref<1x128xi32, #tpu.memory_space<vmem>> -> memref<128xi32, #tpu.memory_space<vmem>>
      %dma_start3A_107 = arith.constant 0 : i32
      %dma_start3A_108 = tpu.memref_slice %arg15[%dma_start3A_107] : memref<100096xf32, #tpu.memory_space<vmem_shared>> -> memref<100096xf32, #tpu.memory_space<vmem_shared>>
      tpu.enqueue_indirect_dma source(%arg12 : memref<128xf32, #tpu.memory_space<vmem>>) target(%dma_start3A_108 : memref<100096xf32, #tpu.memory_space<vmem_shared>>) offsets(%dma_start3A_106 : memref<128xi32, #tpu.memory_space<vmem>>) semaphore(%run_scoped3A_104 : memref<!tpu.dma_semaphore, #tpu.memory_space<semaphore_mem>>) {add = true}
      %dma_wait3A = arith.constant 0 : i32
      %dma_wait3A_109 = tpu.memref_slice %arg10[%run_scoped3A_58, %dma_wait3A] : memref<5x128xi32, #tpu.memory_space<vmem>> -> memref<1x128xi32, #tpu.memory_space<vmem>>
      %dma_wait3A_110 = tpu.memref_squeeze %dma_wait3A_109 : memref<1x128xi32, #tpu.memory_space<vmem>> -> memref<128xi32, #tpu.memory_space<vmem>>
      %dma_wait3A_111 = arith.constant 0 : i32
      %dma_wait3A_112 = tpu.memref_slice %arg15[%dma_wait3A_111] : memref<100096xf32, #tpu.memory_space<vmem_shared>> -> memref<100096xf32, #tpu.memory_space<vmem_shared>>
      tpu.wait_indirect_dma semaphore(%run_scoped3A_104 : memref<!tpu.dma_semaphore, #tpu.memory_space<semaphore_mem>>) src(%arg12 : memref<128xf32, #tpu.memory_space<vmem>>) dst(%dma_wait3A_112 : memref<100096xf32, #tpu.memory_space<vmem_shared>>)
      tpu.yield
    }) : () -> ()
    %lt3A = arith.constant 8 : i32
    %lt3A_59 = arith.cmpi slt, %add3A, %lt3A : i32
    %convert_element_type3A = arith.extui %lt3A_59 : i1 to i32
    %cond3A = arith.constant 0 : i32
    %cond3A_60 = arith.cmpi ne, %convert_element_type3A, %cond3A : i32
    scf.if %cond3A_60 {
      %add3A_104 = arith.constant 781 : i32
      %add3A_105 = arith.addi %add3A_30, %add3A_104 : i32
      %run_scoped3A_106 = arith.constant 0 : i32
      %run_scoped3A_107 = arith.constant 1 : i32
      "tpu.region"() ({
        %run_scoped3A_113 = tpu.sem_alloc : memref<!tpu.dma_semaphore, #tpu.memory_space<semaphore_mem>>
        %dma_start3A = arith.constant 0 : i32
        %dma_start3A_114 = tpu.memref_slice %arg9[%run_scoped3A_107, %dma_start3A] : memref<5x128xi32, #tpu.memory_space<vmem>> -> memref<1x128xi32, #tpu.memory_space<vmem>>
        %dma_start3A_115 = tpu.memref_squeeze %dma_start3A_114 : memref<1x128xi32, #tpu.memory_space<vmem>> -> memref<128xi32, #tpu.memory_space<vmem>>
        %dma_start3A_116 = arith.constant 0 : i32
        %dma_start3A_117 = tpu.memref_slice %arg3[%run_scoped3A_106, %add3A_105, %dma_start3A_116] : memref<2x25000x128xi32, #tpu.memory_space<hbm>> -> memref<1x1x128xi32, #tpu.memory_space<hbm>>
        %dma_start3A_118 = tpu.memref_squeeze %dma_start3A_117 : memref<1x1x128xi32, #tpu.memory_space<hbm>> -> memref<128xi32, #tpu.memory_space<hbm>>
        %dma_start3A_119 = arith.constant 0 : i32
        %dma_start3A_120 = tpu.memref_slice %arg9[%run_scoped3A_107, %dma_start3A_119] : memref<5x128xi32, #tpu.memory_space<vmem>> -> memref<1x128xi32, #tpu.memory_space<vmem>>
        %dma_start3A_121 = tpu.memref_squeeze %dma_start3A_120 : memref<1x128xi32, #tpu.memory_space<vmem>> -> memref<128xi32, #tpu.memory_space<vmem>>
        %dma_start3A_122 = arith.constant 0 : i32
        %dma_start3A_123 = tpu.memref_slice %arg3[%run_scoped3A_106, %add3A_105, %dma_start3A_122] : memref<2x25000x128xi32, #tpu.memory_space<hbm>> -> memref<1x1x128xi32, #tpu.memory_space<hbm>>
        %dma_start3A_124 = tpu.memref_squeeze %dma_start3A_123 : memref<1x1x128xi32, #tpu.memory_space<hbm>> -> memref<128xi32, #tpu.memory_space<hbm>>
        tpu.enqueue_dma source(%dma_start3A_124 : memref<128xi32, #tpu.memory_space<hbm>>) target(%dma_start3A_121 : memref<128xi32, #tpu.memory_space<vmem>>) target_semaphore(%run_scoped3A_113 : memref<!tpu.dma_semaphore, #tpu.memory_space<semaphore_mem>>)
        %dma_wait3A = arith.constant 0 : i32
        %dma_wait3A_125 = tpu.memref_slice %arg9[%run_scoped3A_107, %dma_wait3A] : memref<5x128xi32, #tpu.memory_space<vmem>> -> memref<1x128xi32, #tpu.memory_space<vmem>>
        %dma_wait3A_126 = tpu.memref_squeeze %dma_wait3A_125 : memref<1x128xi32, #tpu.memory_space<vmem>> -> memref<128xi32, #tpu.memory_space<vmem>>
        %dma_wait3A_127 = arith.constant 0 : i32
        %dma_wait3A_128 = tpu.memref_slice %arg3[%run_scoped3A_106, %add3A_105, %dma_wait3A_127] : memref<2x25000x128xi32, #tpu.memory_space<hbm>> -> memref<1x1x128xi32, #tpu.memory_space<hbm>>
        %dma_wait3A_129 = tpu.memref_squeeze %dma_wait3A_128 : memref<1x1x128xi32, #tpu.memory_space<hbm>> -> memref<128xi32, #tpu.memory_space<hbm>>
        %dma_wait3A_130 = arith.constant 0 : i32
        %dma_wait3A_131 = tpu.memref_slice %arg9[%run_scoped3A_107, %dma_wait3A_130] : memref<5x128xi32, #tpu.memory_space<vmem>> -> memref<1x128xi32, #tpu.memory_space<vmem>>
        %dma_wait3A_132 = tpu.memref_squeeze %dma_wait3A_131 : memref<1x128xi32, #tpu.memory_space<vmem>> -> memref<128xi32, #tpu.memory_space<vmem>>
        %dma_wait3A_133 = arith.constant 0 : i32
        %dma_wait3A_134 = tpu.memref_slice %arg3[%run_scoped3A_106, %add3A_105, %dma_wait3A_133] : memref<2x25000x128xi32, #tpu.memory_space<hbm>> -> memref<1x1x128xi32, #tpu.memory_space<hbm>>
        %dma_wait3A_135 = tpu.memref_squeeze %dma_wait3A_134 : memref<1x1x128xi32, #tpu.memory_space<hbm>> -> memref<128xi32, #tpu.memory_space<hbm>>
        tpu.wait_dma2 semaphore(%run_scoped3A_113 : memref<!tpu.dma_semaphore, #tpu.memory_space<semaphore_mem>>) src(%dma_wait3A_135 : memref<128xi32, #tpu.memory_space<hbm>>) dst(%dma_wait3A_132 : memref<128xi32, #tpu.memory_space<vmem>>)
        tpu.yield
      }) : () -> ()
      %run_scoped3A_108 = arith.constant 1 : i32
      %run_scoped3A_109 = arith.constant 1 : i32
      "tpu.region"() ({
        %run_scoped3A_113 = tpu.sem_alloc : memref<!tpu.dma_semaphore, #tpu.memory_space<semaphore_mem>>
        %dma_start3A = arith.constant 0 : i32
        %dma_start3A_114 = tpu.memref_slice %arg10[%run_scoped3A_109, %dma_start3A] : memref<5x128xi32, #tpu.memory_space<vmem>> -> memref<1x128xi32, #tpu.memory_space<vmem>>
        %dma_start3A_115 = tpu.memref_squeeze %dma_start3A_114 : memref<1x128xi32, #tpu.memory_space<vmem>> -> memref<128xi32, #tpu.memory_space<vmem>>
        %dma_start3A_116 = arith.constant 0 : i32
        %dma_start3A_117 = tpu.memref_slice %arg3[%run_scoped3A_108, %add3A_105, %dma_start3A_116] : memref<2x25000x128xi32, #tpu.memory_space<hbm>> -> memref<1x1x128xi32, #tpu.memory_space<hbm>>
        %dma_start3A_118 = tpu.memref_squeeze %dma_start3A_117 : memref<1x1x128xi32, #tpu.memory_space<hbm>> -> memref<128xi32, #tpu.memory_space<hbm>>
        %dma_start3A_119 = arith.constant 0 : i32
        %dma_start3A_120 = tpu.memref_slice %arg10[%run_scoped3A_109, %dma_start3A_119] : memref<5x128xi32, #tpu.memory_space<vmem>> -> memref<1x128xi32, #tpu.memory_space<vmem>>
        %dma_start3A_121 = tpu.memref_squeeze %dma_start3A_120 : memref<1x128xi32, #tpu.memory_space<vmem>> -> memref<128xi32, #tpu.memory_space<vmem>>
        %dma_start3A_122 = arith.constant 0 : i32
        %dma_start3A_123 = tpu.memref_slice %arg3[%run_scoped3A_108, %add3A_105, %dma_start3A_122] : memref<2x25000x128xi32, #tpu.memory_space<hbm>> -> memref<1x1x128xi32, #tpu.memory_space<hbm>>
        %dma_start3A_124 = tpu.memref_squeeze %dma_start3A_123 : memref<1x1x128xi32, #tpu.memory_space<hbm>> -> memref<128xi32, #tpu.memory_space<hbm>>
        tpu.enqueue_dma source(%dma_start3A_124 : memref<128xi32, #tpu.memory_space<hbm>>) target(%dma_start3A_121 : memref<128xi32, #tpu.memory_space<vmem>>) target_semaphore(%run_scoped3A_113 : memref<!tpu.dma_semaphore, #tpu.memory_space<semaphore_mem>>)
        %dma_wait3A = arith.constant 0 : i32
        %dma_wait3A_125 = tpu.memref_slice %arg10[%run_scoped3A_109, %dma_wait3A] : memref<5x128xi32, #tpu.memory_space<vmem>> -> memref<1x128xi32, #tpu.memory_space<vmem>>
        %dma_wait3A_126 = tpu.memref_squeeze %dma_wait3A_125 : memref<1x128xi32, #tpu.memory_space<vmem>> -> memref<128xi32, #tpu.memory_space<vmem>>
        %dma_wait3A_127 = arith.constant 0 : i32
        %dma_wait3A_128 = tpu.memref_slice %arg3[%run_scoped3A_108, %add3A_105, %dma_wait3A_127] : memref<2x25000x128xi32, #tpu.memory_space<hbm>> -> memref<1x1x128xi32, #tpu.memory_space<hbm>>
        %dma_wait3A_129 = tpu.memref_squeeze %dma_wait3A_128 : memref<1x1x128xi32, #tpu.memory_space<hbm>> -> memref<128xi32, #tpu.memory_space<hbm>>
        %dma_wait3A_130 = arith.constant 0 : i32
        %dma_wait3A_131 = tpu.memref_slice %arg10[%run_scoped3A_109, %dma_wait3A_130] : memref<5x128xi32, #tpu.memory_space<vmem>> -> memref<1x128xi32, #tpu.memory_space<vmem>>
        %dma_wait3A_132 = tpu.memref_squeeze %dma_wait3A_131 : memref<1x128xi32, #tpu.memory_space<vmem>> -> memref<128xi32, #tpu.memory_space<vmem>>
        %dma_wait3A_133 = arith.constant 0 : i32
        %dma_wait3A_134 = tpu.memref_slice %arg3[%run_scoped3A_108, %add3A_105, %dma_wait3A_133] : memref<2x25000x128xi32, #tpu.memory_space<hbm>> -> memref<1x1x128xi32, #tpu.memory_space<hbm>>
        %dma_wait3A_135 = tpu.memref_squeeze %dma_wait3A_134 : memref<1x1x128xi32, #tpu.memory_space<hbm>> -> memref<128xi32, #tpu.memory_space<hbm>>
        tpu.wait_dma2 semaphore(%run_scoped3A_113 : memref<!tpu.dma_semaphore, #tpu.memory_space<semaphore_mem>>) src(%dma_wait3A_135 : memref<128xi32, #tpu.memory_space<hbm>>) dst(%dma_wait3A_132 : memref<128xi32, #tpu.memory_space<vmem>>)
        tpu.yield
      }) : () -> ()
      %run_scoped3A_110 = arith.constant 1 : i32
      "tpu.region"() ({
        %run_scoped3A_113 = tpu.sem_alloc : memref<!tpu.dma_semaphore, #tpu.memory_space<semaphore_mem>>
        %dma_start3A = arith.constant 128 : i32
        %dma_start3A_114 = arith.constant 0 : i32
        %dma_start3A_115 = tpu.memref_slice %arg11[%dma_start3A, %dma_start3A_114] : memref<640x16xf32, #tpu.memory_space<vmem>> -> memref<128x16xf32, #tpu.memory_space<vmem>>
        %dma_start3A_116 = arith.constant 0 : i32
        %dma_start3A_117 = tpu.memref_slice %arg9[%run_scoped3A_110, %dma_start3A_116] : memref<5x128xi32, #tpu.memory_space<vmem>> -> memref<1x128xi32, #tpu.memory_space<vmem>>
        %dma_start3A_118 = tpu.memref_squeeze %dma_start3A_117 : memref<1x128xi32, #tpu.memory_space<vmem>> -> memref<128xi32, #tpu.memory_space<vmem>>
        %dma_start3A_119 = arith.constant 0 : i32
        %dma_start3A_120 = arith.constant 0 : i32
        %dma_start3A_121 = tpu.memref_slice %arg2[%dma_start3A_119, %dma_start3A_120] : memref<100000x16xf32, #tpu.memory_space<hbm>> -> memref<100000x16xf32, #tpu.memory_space<hbm>>
        tpu.enqueue_indirect_dma source(%dma_start3A_121 : memref<100000x16xf32, #tpu.memory_space<hbm>>) target(%dma_start3A_115 : memref<128x16xf32, #tpu.memory_space<vmem>>) offsets(%dma_start3A_118 : memref<128xi32, #tpu.memory_space<vmem>>) semaphore(%run_scoped3A_113 : memref<!tpu.dma_semaphore, #tpu.memory_space<semaphore_mem>>)
        %dma_wait3A = arith.constant 128 : i32
        %dma_wait3A_122 = arith.constant 0 : i32
        %dma_wait3A_123 = tpu.memref_slice %arg11[%dma_wait3A, %dma_wait3A_122] : memref<640x16xf32, #tpu.memory_space<vmem>> -> memref<128x16xf32, #tpu.memory_space<vmem>>
        %dma_wait3A_124 = arith.constant 0 : i32
        %dma_wait3A_125 = tpu.memref_slice %arg9[%run_scoped3A_110, %dma_wait3A_124] : memref<5x128xi32, #tpu.memory_space<vmem>> -> memref<1x128xi32, #tpu.memory_space<vmem>>
        %dma_wait3A_126 = tpu.memref_squeeze %dma_wait3A_125 : memref<1x128xi32, #tpu.memory_space<vmem>> -> memref<128xi32, #tpu.memory_space<vmem>>
        %dma_wait3A_127 = arith.constant 0 : i32
        %dma_wait3A_128 = arith.constant 0 : i32
        %dma_wait3A_129 = tpu.memref_slice %arg2[%dma_wait3A_127, %dma_wait3A_128] : memref<100000x16xf32, #tpu.memory_space<hbm>> -> memref<100000x16xf32, #tpu.memory_space<hbm>>
        tpu.wait_indirect_dma semaphore(%run_scoped3A_113 : memref<!tpu.dma_semaphore, #tpu.memory_space<semaphore_mem>>) src(%dma_wait3A_129 : memref<100000x16xf32, #tpu.memory_space<hbm>>) dst(%dma_wait3A_123 : memref<128x16xf32, #tpu.memory_space<vmem>>)
        tpu.yield
      }) : () -> ()
      %run_scoped3A_111 = arith.constant 1 : i32
      "tpu.region"() ({
        %run_scoped3A_113 = tpu.sem_alloc : memref<!tpu.dma_semaphore, #tpu.memory_space<semaphore_mem>>
        %dma_start3A = arith.constant 128 : i32
        %dma_start3A_114 = arith.constant 0 : i32
        %dma_start3A_115 = tpu.memref_slice %arg11[%dma_start3A, %dma_start3A_114] : memref<640x16xf32, #tpu.memory_space<vmem>> -> memref<128x16xf32, #tpu.memory_space<vmem>>
        %dma_start3A_116 = arith.constant 0 : i32
        %dma_start3A_117 = tpu.memref_slice %arg10[%run_scoped3A_111, %dma_start3A_116] : memref<5x128xi32, #tpu.memory_space<vmem>> -> memref<1x128xi32, #tpu.memory_space<vmem>>
        %dma_start3A_118 = tpu.memref_squeeze %dma_start3A_117 : memref<1x128xi32, #tpu.memory_space<vmem>> -> memref<128xi32, #tpu.memory_space<vmem>>
        %dma_start3A_119 = arith.constant 0 : i32
        %dma_start3A_120 = arith.constant 0 : i32
        %dma_start3A_121 = tpu.memref_slice %arg14[%dma_start3A_119, %dma_start3A_120] : memref<100096x16xf32, #tpu.memory_space<vmem_shared>> -> memref<100096x16xf32, #tpu.memory_space<vmem_shared>>
        tpu.enqueue_indirect_dma source(%dma_start3A_115 : memref<128x16xf32, #tpu.memory_space<vmem>>) target(%dma_start3A_121 : memref<100096x16xf32, #tpu.memory_space<vmem_shared>>) offsets(%dma_start3A_118 : memref<128xi32, #tpu.memory_space<vmem>>) semaphore(%run_scoped3A_113 : memref<!tpu.dma_semaphore, #tpu.memory_space<semaphore_mem>>) {add = true}
        %dma_wait3A = arith.constant 128 : i32
        %dma_wait3A_122 = arith.constant 0 : i32
        %dma_wait3A_123 = tpu.memref_slice %arg11[%dma_wait3A, %dma_wait3A_122] : memref<640x16xf32, #tpu.memory_space<vmem>> -> memref<128x16xf32, #tpu.memory_space<vmem>>
        %dma_wait3A_124 = arith.constant 0 : i32
        %dma_wait3A_125 = tpu.memref_slice %arg10[%run_scoped3A_111, %dma_wait3A_124] : memref<5x128xi32, #tpu.memory_space<vmem>> -> memref<1x128xi32, #tpu.memory_space<vmem>>
        %dma_wait3A_126 = tpu.memref_squeeze %dma_wait3A_125 : memref<1x128xi32, #tpu.memory_space<vmem>> -> memref<128xi32, #tpu.memory_space<vmem>>
        %dma_wait3A_127 = arith.constant 0 : i32
        %dma_wait3A_128 = arith.constant 0 : i32
        %dma_wait3A_129 = tpu.memref_slice %arg14[%dma_wait3A_127, %dma_wait3A_128] : memref<100096x16xf32, #tpu.memory_space<vmem_shared>> -> memref<100096x16xf32, #tpu.memory_space<vmem_shared>>
        tpu.wait_indirect_dma semaphore(%run_scoped3A_113 : memref<!tpu.dma_semaphore, #tpu.memory_space<semaphore_mem>>) src(%dma_wait3A_123 : memref<128x16xf32, #tpu.memory_space<vmem>>) dst(%dma_wait3A_129 : memref<100096x16xf32, #tpu.memory_space<vmem_shared>>)
        tpu.yield
      }) : () -> ()
      %run_scoped3A_112 = arith.constant 1 : i32
      "tpu.region"() ({
        %run_scoped3A_113 = tpu.sem_alloc : memref<!tpu.dma_semaphore, #tpu.memory_space<semaphore_mem>>
        %dma_start3A = arith.constant 0 : i32
        %dma_start3A_114 = tpu.memref_slice %arg10[%run_scoped3A_112, %dma_start3A] : memref<5x128xi32, #tpu.memory_space<vmem>> -> memref<1x128xi32, #tpu.memory_space<vmem>>
        %dma_start3A_115 = tpu.memref_squeeze %dma_start3A_114 : memref<1x128xi32, #tpu.memory_space<vmem>> -> memref<128xi32, #tpu.memory_space<vmem>>
        %dma_start3A_116 = arith.constant 0 : i32
        %dma_start3A_117 = tpu.memref_slice %arg15[%dma_start3A_116] : memref<100096xf32, #tpu.memory_space<vmem_shared>> -> memref<100096xf32, #tpu.memory_space<vmem_shared>>
        tpu.enqueue_indirect_dma source(%arg12 : memref<128xf32, #tpu.memory_space<vmem>>) target(%dma_start3A_117 : memref<100096xf32, #tpu.memory_space<vmem_shared>>) offsets(%dma_start3A_115 : memref<128xi32, #tpu.memory_space<vmem>>) semaphore(%run_scoped3A_113 : memref<!tpu.dma_semaphore, #tpu.memory_space<semaphore_mem>>) {add = true}
        %dma_wait3A = arith.constant 0 : i32
        %dma_wait3A_118 = tpu.memref_slice %arg10[%run_scoped3A_112, %dma_wait3A] : memref<5x128xi32, #tpu.memory_space<vmem>> -> memref<1x128xi32, #tpu.memory_space<vmem>>
        %dma_wait3A_119 = tpu.memref_squeeze %dma_wait3A_118 : memref<1x128xi32, #tpu.memory_space<vmem>> -> memref<128xi32, #tpu.memory_space<vmem>>
        %dma_wait3A_120 = arith.constant 0 : i32
        %dma_wait3A_121 = tpu.memref_slice %arg15[%dma_wait3A_120] : memref<100096xf32, #tpu.memory_space<vmem_shared>> -> memref<100096xf32, #tpu.memory_space<vmem_shared>>
        tpu.wait_indirect_dma semaphore(%run_scoped3A_113 : memref<!tpu.dma_semaphore, #tpu.memory_space<semaphore_mem>>) src(%arg12 : memref<128xf32, #tpu.memory_space<vmem>>) dst(%dma_wait3A_121 : memref<100096xf32, #tpu.memory_space<vmem_shared>>)
        tpu.yield
      }) : () -> ()
    } else {
    }
    %barrier3A_61 = arith.constant 0 : index
    tpu.barrier barrier_id(%barrier3A_61)
    %mul3A_62 = arith.constant 6256 : i32
    %mul3A_63 = arith.muli %arg1, %mul3A_62 : i32
    %mul3A_64 = arith.constant 6256 : i32
    %mul3A_65 = arith.muli %arg1, %mul3A_64 : i32
    "tpu.region"() ({
      %run_scoped3A_104 = tpu.sem_alloc : memref<!tpu.dma_semaphore, #tpu.memory_space<semaphore_mem>>
      %dma_start3A = arith.constant 0 : i32
      %dma_start3A_105 = tpu.memref_slice %arg4[%arg0, %mul3A_65, %dma_start3A] : memref<2x100096x16xf32, #tpu.memory_space<hbm>> -> memref<1x6256x16xf32, #tpu.memory_space<hbm>>
      %dma_start3A_106 = tpu.memref_squeeze %dma_start3A_105 : memref<1x6256x16xf32, #tpu.memory_space<hbm>> -> memref<6256x16xf32, #tpu.memory_space<hbm>>
      %dma_start3A_107 = arith.constant 0 : i32
      %dma_start3A_108 = tpu.memref_slice %arg14[%mul3A_63, %dma_start3A_107] : memref<100096x16xf32, #tpu.memory_space<vmem_shared>> -> memref<6256x16xf32, #tpu.memory_space<vmem_shared>>
      tpu.enqueue_dma source(%dma_start3A_108 : memref<6256x16xf32, #tpu.memory_space<vmem_shared>>) target(%dma_start3A_106 : memref<6256x16xf32, #tpu.memory_space<hbm>>) target_semaphore(%run_scoped3A_104 : memref<!tpu.dma_semaphore, #tpu.memory_space<semaphore_mem>>)
      %dma_wait3A = arith.constant 0 : i32
      %dma_wait3A_109 = tpu.memref_slice %arg4[%arg0, %mul3A_65, %dma_wait3A] : memref<2x100096x16xf32, #tpu.memory_space<hbm>> -> memref<1x6256x16xf32, #tpu.memory_space<hbm>>
      %dma_wait3A_110 = tpu.memref_squeeze %dma_wait3A_109 : memref<1x6256x16xf32, #tpu.memory_space<hbm>> -> memref<6256x16xf32, #tpu.memory_space<hbm>>
      %dma_wait3A_111 = arith.constant 0 : i32
      %dma_wait3A_112 = tpu.memref_slice %arg14[%mul3A_63, %dma_wait3A_111] : memref<100096x16xf32, #tpu.memory_space<vmem_shared>> -> memref<6256x16xf32, #tpu.memory_space<vmem_shared>>
      tpu.wait_dma2 semaphore(%run_scoped3A_104 : memref<!tpu.dma_semaphore, #tpu.memory_space<semaphore_mem>>) src(%dma_wait3A_112 : memref<6256x16xf32, #tpu.memory_space<vmem_shared>>) dst(%dma_wait3A_110 : memref<6256x16xf32, #tpu.memory_space<hbm>>)
      tpu.yield
    }) : () -> ()
    %broadcast_in_dim3A_66 = arith.constant 0 : i32
    %broadcast_in_dim3A_67 = vector.broadcast %broadcast_in_dim3A_66 : i32 to vector<16xi32>
    %broadcast_in_dim3A_68 = arith.constant 1 : i32
    %broadcast_in_dim3A_69 = vector.broadcast %broadcast_in_dim3A_68 : i32 to vector<16xi32>
    %broadcast_in_dim3A_70 = arith.constant 2 : i32
    %broadcast_in_dim3A_71 = vector.broadcast %broadcast_in_dim3A_70 : i32 to vector<16xi32>
    %broadcast_in_dim3A_72 = arith.constant 3 : i32
    %broadcast_in_dim3A_73 = vector.broadcast %broadcast_in_dim3A_72 : i32 to vector<16xi32>
    %broadcast_in_dim3A_74 = arith.constant 4 : i32
    %broadcast_in_dim3A_75 = vector.broadcast %broadcast_in_dim3A_74 : i32 to vector<16xi32>
    %broadcast_in_dim3A_76 = arith.constant 5 : i32
    %broadcast_in_dim3A_77 = vector.broadcast %broadcast_in_dim3A_76 : i32 to vector<16xi32>
    %broadcast_in_dim3A_78 = arith.constant 6 : i32
    %broadcast_in_dim3A_79 = vector.broadcast %broadcast_in_dim3A_78 : i32 to vector<16xi32>
    %broadcast_in_dim3A_80 = arith.constant 7 : i32
    %broadcast_in_dim3A_81 = vector.broadcast %broadcast_in_dim3A_80 : i32 to vector<16xi32>
    %broadcast_in_dim3A_82 = arith.constant 8 : i32
    %broadcast_in_dim3A_83 = vector.broadcast %broadcast_in_dim3A_82 : i32 to vector<16xi32>
    %broadcast_in_dim3A_84 = arith.constant 9 : i32
    %broadcast_in_dim3A_85 = vector.broadcast %broadcast_in_dim3A_84 : i32 to vector<16xi32>
    %broadcast_in_dim3A_86 = arith.constant 10 : i32
    %broadcast_in_dim3A_87 = vector.broadcast %broadcast_in_dim3A_86 : i32 to vector<16xi32>
    %broadcast_in_dim3A_88 = arith.constant 11 : i32
    %broadcast_in_dim3A_89 = vector.broadcast %broadcast_in_dim3A_88 : i32 to vector<16xi32>
    %broadcast_in_dim3A_90 = arith.constant 12 : i32
    %broadcast_in_dim3A_91 = vector.broadcast %broadcast_in_dim3A_90 : i32 to vector<16xi32>
    %broadcast_in_dim3A_92 = arith.constant 13 : i32
    %broadcast_in_dim3A_93 = vector.broadcast %broadcast_in_dim3A_92 : i32 to vector<16xi32>
    %broadcast_in_dim3A_94 = arith.constant 14 : i32
    %broadcast_in_dim3A_95 = vector.broadcast %broadcast_in_dim3A_94 : i32 to vector<16xi32>
    %broadcast_in_dim3A_96 = arith.constant 15 : i32
    %broadcast_in_dim3A_97 = vector.broadcast %broadcast_in_dim3A_96 : i32 to vector<16xi32>
    %iota3A = tpu.iota {dimensions = array<i32: 0>} : vector<16xi32>
    %scan3A_98 = arith.constant 0 : i32
    %scan3A_99 = arith.constant 0 : i32
    %scan3A_100 = arith.constant 23 : i32
    %scan3A_101 = arith.addi %scan3A_99, %scan3A_100 : i32
    %scan3A_102 = arith.constant 1 : i32
    scf.for %scan3A_104 = %scan3A_99 to %scan3A_101 step %scan3A_102  : i32 {
      %mul3A_105 = arith.constant 6256 : i32
      %mul3A_106 = arith.muli %arg1, %mul3A_105 : i32
      %mul3A_107 = arith.constant 272 : i32
      %mul3A_108 = arith.muli %scan3A_104, %mul3A_107 : i32
      %add3A_109 = arith.addi %mul3A_106, %mul3A_108 : i32
      "tpu.region"() ({
        %run_scoped3A_121 = tpu.sem_alloc : memref<!tpu.dma_semaphore, #tpu.memory_space<semaphore_mem>>
        %dma_start3A = tpu.memref_slice %arg15[%add3A_109] : memref<100096xf32, #tpu.memory_space<vmem_shared>> -> memref<272xf32, #tpu.memory_space<vmem_shared>>
        %dma_start3A_122 = tpu.memref_slice %arg15[%add3A_109] : memref<100096xf32, #tpu.memory_space<vmem_shared>> -> memref<272xf32, #tpu.memory_space<vmem_shared>>
        tpu.enqueue_dma source(%dma_start3A_122 : memref<272xf32, #tpu.memory_space<vmem_shared>>) target(%arg13 : memref<272xf32, #tpu.memory_space<vmem>>) target_semaphore(%run_scoped3A_121 : memref<!tpu.dma_semaphore, #tpu.memory_space<semaphore_mem>>)
        %dma_wait3A = tpu.memref_slice %arg15[%add3A_109] : memref<100096xf32, #tpu.memory_space<vmem_shared>> -> memref<272xf32, #tpu.memory_space<vmem_shared>>
        %dma_wait3A_123 = tpu.memref_slice %arg15[%add3A_109] : memref<100096xf32, #tpu.memory_space<vmem_shared>> -> memref<272xf32, #tpu.memory_space<vmem_shared>>
        tpu.wait_dma2 semaphore(%run_scoped3A_121 : memref<!tpu.dma_semaphore, #tpu.memory_space<semaphore_mem>>) src(%dma_wait3A_123 : memref<272xf32, #tpu.memory_space<vmem_shared>>) dst(%arg13 : memref<272xf32, #tpu.memory_space<vmem>>)
        tpu.yield
      }) : () -> ()
      %scan3A_110 = arith.constant 0 : i32
      %scan3A_111 = arith.constant 0 : i32
      %scan3A_112 = arith.constant 17 : i32
      %scan3A_113 = arith.addi %scan3A_111, %scan3A_112 : i32
      %scan3A_114 = arith.constant 1 : i32
      scf.for %scan3A_121 = %scan3A_111 to %scan3A_113 step %scan3A_114  : i32 {
        %mul3A_122 = arith.constant 16 : i32
        %mul3A_123 = arith.muli %scan3A_121, %mul3A_122 : i32
        %get3A = arith.index_cast %mul3A_123 : i32 to index
        %get3A_124 = tpu.vector_load %arg13[%get3A] {strides = array<i32>} : memref<272xf32, #tpu.memory_space<vmem>>, vector<16xf32>,
        %mul3A_125 = arith.constant 16 : i32
        %mul3A_126 = arith.muli %scan3A_121, %mul3A_125 : i32
        %add3A_127 = vector.broadcast %mul3A_126 : i32 to vector<16xi32>
        %add3A_128 = arith.addi %iota3A, %add3A_127 : vector<16xi32>
        tpu.vector_store_idx %arg8[%add3A_128, %broadcast_in_dim3A_67], %get3A_124 : memref<640x16xf32, #tpu.memory_space<vmem>>[vector<16xi32>, vector<16xi32>], vector<16xf32>,
        tpu.vector_store_idx %arg8[%add3A_128, %broadcast_in_dim3A_69], %get3A_124 : memref<640x16xf32, #tpu.memory_space<vmem>>[vector<16xi32>, vector<16xi32>], vector<16xf32>,
        tpu.vector_store_idx %arg8[%add3A_128, %broadcast_in_dim3A_71], %get3A_124 : memref<640x16xf32, #tpu.memory_space<vmem>>[vector<16xi32>, vector<16xi32>], vector<16xf32>,
        tpu.vector_store_idx %arg8[%add3A_128, %broadcast_in_dim3A_73], %get3A_124 : memref<640x16xf32, #tpu.memory_space<vmem>>[vector<16xi32>, vector<16xi32>], vector<16xf32>,
        tpu.vector_store_idx %arg8[%add3A_128, %broadcast_in_dim3A_75], %get3A_124 : memref<640x16xf32, #tpu.memory_space<vmem>>[vector<16xi32>, vector<16xi32>], vector<16xf32>,
        tpu.vector_store_idx %arg8[%add3A_128, %broadcast_in_dim3A_77], %get3A_124 : memref<640x16xf32, #tpu.memory_space<vmem>>[vector<16xi32>, vector<16xi32>], vector<16xf32>,
        tpu.vector_store_idx %arg8[%add3A_128, %broadcast_in_dim3A_79], %get3A_124 : memref<640x16xf32, #tpu.memory_space<vmem>>[vector<16xi32>, vector<16xi32>], vector<16xf32>,
        tpu.vector_store_idx %arg8[%add3A_128, %broadcast_in_dim3A_81], %get3A_124 : memref<640x16xf32, #tpu.memory_space<vmem>>[vector<16xi32>, vector<16xi32>], vector<16xf32>,
        tpu.vector_store_idx %arg8[%add3A_128, %broadcast_in_dim3A_83], %get3A_124 : memref<640x16xf32, #tpu.memory_space<vmem>>[vector<16xi32>, vector<16xi32>], vector<16xf32>,
        tpu.vector_store_idx %arg8[%add3A_128, %broadcast_in_dim3A_85], %get3A_124 : memref<640x16xf32, #tpu.memory_space<vmem>>[vector<16xi32>, vector<16xi32>], vector<16xf32>,
        tpu.vector_store_idx %arg8[%add3A_128, %broadcast_in_dim3A_87], %get3A_124 : memref<640x16xf32, #tpu.memory_space<vmem>>[vector<16xi32>, vector<16xi32>], vector<16xf32>,
        tpu.vector_store_idx %arg8[%add3A_128, %broadcast_in_dim3A_89], %get3A_124 : memref<640x16xf32, #tpu.memory_space<vmem>>[vector<16xi32>, vector<16xi32>], vector<16xf32>,
        tpu.vector_store_idx %arg8[%add3A_128, %broadcast_in_dim3A_91], %get3A_124 : memref<640x16xf32, #tpu.memory_space<vmem>>[vector<16xi32>, vector<16xi32>], vector<16xf32>,
        tpu.vector_store_idx %arg8[%add3A_128, %broadcast_in_dim3A_93], %get3A_124 : memref<640x16xf32, #tpu.memory_space<vmem>>[vector<16xi32>, vector<16xi32>], vector<16xf32>,
        tpu.vector_store_idx %arg8[%add3A_128, %broadcast_in_dim3A_95], %get3A_124 : memref<640x16xf32, #tpu.memory_space<vmem>>[vector<16xi32>, vector<16xi32>], vector<16xf32>,
        tpu.vector_store_idx %arg8[%add3A_128, %broadcast_in_dim3A_97], %get3A_124 : memref<640x16xf32, #tpu.memory_space<vmem>>[vector<16xi32>, vector<16xi32>], vector<16xf32>,
      }
      %scan3A_115 = arith.constant 17 : i32
      %mul3A_116 = arith.constant 6256 : i32
      %mul3A_117 = arith.muli %arg1, %mul3A_116 : i32
      %mul3A_118 = arith.constant 272 : i32
      %mul3A_119 = arith.muli %scan3A_104, %mul3A_118 : i32
      %add3A_120 = arith.addi %mul3A_117, %mul3A_119 : i32
      "tpu.region"() ({
        %run_scoped3A_121 = tpu.sem_alloc : memref<!tpu.dma_semaphore, #tpu.memory_space<semaphore_mem>>
        %dma_start3A = arith.constant 0 : i32
        %dma_start3A_122 = arith.constant 0 : i32
        %dma_start3A_123 = tpu.memref_slice %arg8[%dma_start3A, %dma_start3A_122] : memref<640x16xf32, #tpu.memory_space<vmem>> -> memref<272x16xf32, #tpu.memory_space<vmem>>
        %dma_start3A_124 = arith.constant 0 : i32
        %dma_start3A_125 = tpu.memref_slice %arg5[%arg0, %add3A_120, %dma_start3A_124] : memref<2x100096x16xf32, #tpu.memory_space<hbm>> -> memref<1x272x16xf32, #tpu.memory_space<hbm>>
        %dma_start3A_126 = tpu.memref_squeeze %dma_start3A_125 : memref<1x272x16xf32, #tpu.memory_space<hbm>> -> memref<272x16xf32, #tpu.memory_space<hbm>>
        %dma_start3A_127 = arith.constant 0 : i32
        %dma_start3A_128 = tpu.memref_slice %arg5[%arg0, %add3A_120, %dma_start3A_127] : memref<2x100096x16xf32, #tpu.memory_space<hbm>> -> memref<1x272x16xf32, #tpu.memory_space<hbm>>
        %dma_start3A_129 = tpu.memref_squeeze %dma_start3A_128 : memref<1x272x16xf32, #tpu.memory_space<hbm>> -> memref<272x16xf32, #tpu.memory_space<hbm>>
        %dma_start3A_130 = arith.constant 0 : i32
        %dma_start3A_131 = arith.constant 0 : i32
        %dma_start3A_132 = tpu.memref_slice %arg8[%dma_start3A_130, %dma_start3A_131] : memref<640x16xf32, #tpu.memory_space<vmem>> -> memref<272x16xf32, #tpu.memory_space<vmem>>
        tpu.enqueue_dma source(%dma_start3A_132 : memref<272x16xf32, #tpu.memory_space<vmem>>) target(%dma_start3A_129 : memref<272x16xf32, #tpu.memory_space<hbm>>) target_semaphore(%run_scoped3A_121 : memref<!tpu.dma_semaphore, #tpu.memory_space<semaphore_mem>>)
        %dma_wait3A = arith.constant 0 : i32
        %dma_wait3A_133 = arith.constant 0 : i32
        %dma_wait3A_134 = tpu.memref_slice %arg8[%dma_wait3A, %dma_wait3A_133] : memref<640x16xf32, #tpu.memory_space<vmem>> -> memref<272x16xf32, #tpu.memory_space<vmem>>
        %dma_wait3A_135 = arith.constant 0 : i32
        %dma_wait3A_136 = tpu.memref_slice %arg5[%arg0, %add3A_120, %dma_wait3A_135] : memref<2x100096x16xf32, #tpu.memory_space<hbm>> -> memref<1x272x16xf32, #tpu.memory_space<hbm>>
        %dma_wait3A_137 = tpu.memref_squeeze %dma_wait3A_136 : memref<1x272x16xf32, #tpu.memory_space<hbm>> -> memref<272x16xf32, #tpu.memory_space<hbm>>
        %dma_wait3A_138 = arith.constant 0 : i32
        %dma_wait3A_139 = tpu.memref_slice %arg5[%arg0, %add3A_120, %dma_wait3A_138] : memref<2x100096x16xf32, #tpu.memory_space<hbm>> -> memref<1x272x16xf32, #tpu.memory_space<hbm>>
        %dma_wait3A_140 = tpu.memref_squeeze %dma_wait3A_139 : memref<1x272x16xf32, #tpu.memory_space<hbm>> -> memref<272x16xf32, #tpu.memory_space<hbm>>
        %dma_wait3A_141 = arith.constant 0 : i32
        %dma_wait3A_142 = arith.constant 0 : i32
        %dma_wait3A_143 = tpu.memref_slice %arg8[%dma_wait3A_141, %dma_wait3A_142] : memref<640x16xf32, #tpu.memory_space<vmem>> -> memref<272x16xf32, #tpu.memory_space<vmem>>
        tpu.wait_dma2 semaphore(%run_scoped3A_121 : memref<!tpu.dma_semaphore, #tpu.memory_space<semaphore_mem>>) src(%dma_wait3A_143 : memref<272x16xf32, #tpu.memory_space<vmem>>) dst(%dma_wait3A_140 : memref<272x16xf32, #tpu.memory_space<hbm>>)
        tpu.yield
      }) : () -> ()
    }
    %scan3A_103 = arith.constant 23 : i32
    return
  }
}

module attributes {stable_mosaic.version = 14 : i64} {
  func.func @_mlp_body(%arg0: i32, %arg1: memref<512x128xf32, #tpu.memory_space<vmem>>, %arg2: memref<128x128xf32, #tpu.memory_space<vmem>>, %arg3: memref<1x128xf32, #tpu.memory_space<vmem>>, %arg4: memref<128x128xf32, #tpu.memory_space<vmem>>, %arg5: memref<1x128xf32, #tpu.memory_space<vmem>>, %arg6: memref<512x128xf32, #tpu.memory_space<vmem>>) attributes {dimension_semantics = [#tpu.dimension_semantics<arbitrary>], iteration_bounds = array<i64: 25>, scalar_prefetch = 0 : i64, scratch_operands = 0 : i64, tpu.core_type = #tpu.core_type<tc>, window_params = [{transform_indices = @transform_0, window_bounds = array<i64: 512, 128>}, {pipeline_mode = #tpu.pipeline_mode<synchronous>, transform_indices = @transform_1, window_bounds = array<i64: 128, 128>}, {pipeline_mode = #tpu.pipeline_mode<synchronous>, transform_indices = @transform_2, window_bounds = array<i64: 1, 128>}, {pipeline_mode = #tpu.pipeline_mode<synchronous>, transform_indices = @transform_3, window_bounds = array<i64: 128, 128>}, {pipeline_mode = #tpu.pipeline_mode<synchronous>, transform_indices = @transform_4, window_bounds = array<i64: 1, 128>}, {transform_indices = @transform_5, window_bounds = array<i64: 512, 128>}]} {
    %get3A = arith.constant 0 : index
    %get3A_0 = arith.constant 0 : index
    %get3A_1 = vector.load %arg1[%get3A, %get3A_0] : memref<512x128xf32, #tpu.memory_space<vmem>>, vector<512x128xf32>
    %get3A_2 = arith.constant 0 : index
    %get3A_3 = arith.constant 0 : index
    %get3A_4 = vector.load %arg2[%get3A_2, %get3A_3] : memref<128x128xf32, #tpu.memory_space<vmem>>, vector<128x128xf32>
    %dot_general3A = arith.constant dense<0.000000e+00> : vector<512x128xf32>
    %dot_general3A_5 = tpu.matmul %get3A_1, %get3A_4, %dot_general3A {dimension_numbers = #tpu.dot_dimension_numbers<[1], [0], [0], [1], [0, 0, 1, 1], [], []>, transpose_lhs_hint = false} : vector<512x128xf32>, vector<128x128xf32>, vector<512x128xf32> -> vector<512x128xf32>
    %get3A_6 = arith.constant 0 : index
    %get3A_7 = arith.constant 0 : index
    %get3A_8 = vector.load %arg3[%get3A_6, %get3A_7] : memref<1x128xf32, #tpu.memory_space<vmem>>, vector<1x128xf32>
    %add3A = vector.broadcast %get3A_8 : vector<1x128xf32> to vector<512x128xf32>
    %add3A_9 = arith.addf %dot_general3A_5, %add3A : vector<512x128xf32>
    %max3A = arith.constant 0.000000e+00 : f32
    %max3A_10 = vector.broadcast %max3A : f32 to vector<512x128xf32>
    %max3A_11 = arith.maximumf %add3A_9, %max3A_10 : vector<512x128xf32>
    %get3A_12 = arith.constant 0 : index
    %get3A_13 = arith.constant 0 : index
    %get3A_14 = vector.load %arg4[%get3A_12, %get3A_13] : memref<128x128xf32, #tpu.memory_space<vmem>>, vector<128x128xf32>
    %dot_general3A_15 = arith.constant dense<0.000000e+00> : vector<512x128xf32>
    %dot_general3A_16 = tpu.matmul %max3A_11, %get3A_14, %dot_general3A_15 {dimension_numbers = #tpu.dot_dimension_numbers<[1], [0], [0], [1], [0, 0, 1, 1], [], []>, transpose_lhs_hint = false} : vector<512x128xf32>, vector<128x128xf32>, vector<512x128xf32> -> vector<512x128xf32>
    %get3A_17 = arith.constant 0 : index
    %get3A_18 = arith.constant 0 : index
    %get3A_19 = vector.load %arg5[%get3A_17, %get3A_18] : memref<1x128xf32, #tpu.memory_space<vmem>>, vector<1x128xf32>
    %add3A_20 = vector.broadcast %get3A_19 : vector<1x128xf32> to vector<512x128xf32>
    %add3A_21 = arith.addf %dot_general3A_16, %add3A_20 : vector<512x128xf32>
    %swap3A = arith.constant 0 : index
    %swap3A_22 = arith.constant 0 : index
    %swap3A_23 = vector.load %arg6[%swap3A, %swap3A_22] : memref<512x128xf32, #tpu.memory_space<vmem>>, vector<512x128xf32>
    tpu.vector_store %arg6[%swap3A, %swap3A_22], %add3A_21 {strides = array<i32>} : memref<512x128xf32, #tpu.memory_space<vmem>>, vector<512x128xf32>,
    return
  }
  func.func @transform_0(%arg0: i32) -> (i32, i32) {
    %c0_i32 = arith.constant 0 : i32
    %c0_i32_0 = arith.constant 0 : i32
    return %arg0, %c0_i32 : i32, i32
  }
  func.func @transform_1(%arg0: i32) -> (i32, i32) {
    %c0_i32 = arith.constant 0 : i32
    %c0_i32_0 = arith.constant 0 : i32
    %c0_i32_1 = arith.constant 0 : i32
    return %c0_i32, %c0_i32_0 : i32, i32
  }
  func.func @transform_2(%arg0: i32) -> (i32, i32) {
    %c0_i32 = arith.constant 0 : i32
    %c0_i32_0 = arith.constant 0 : i32
    %c0_i32_1 = arith.constant 0 : i32
    return %c0_i32, %c0_i32_0 : i32, i32
  }
  func.func @transform_3(%arg0: i32) -> (i32, i32) {
    %c0_i32 = arith.constant 0 : i32
    %c0_i32_0 = arith.constant 0 : i32
    %c0_i32_1 = arith.constant 0 : i32
    return %c0_i32, %c0_i32_0 : i32, i32
  }
  func.func @transform_4(%arg0: i32) -> (i32, i32) {
    %c0_i32 = arith.constant 0 : i32
    %c0_i32_0 = arith.constant 0 : i32
    %c0_i32_1 = arith.constant 0 : i32
    return %c0_i32, %c0_i32_0 : i32, i32
  }
  func.func @transform_5(%arg0: i32) -> (i32, i32) {
    %c0_i32 = arith.constant 0 : i32
    %c0_i32_0 = arith.constant 0 : i32
    return %arg0, %c0_i32 : i32, i32
  }
}

module attributes {stable_mosaic.version = 14 : i64} {
  func.func @_combine_body(%arg0: i32, %arg1: memref<1x512x128xf32, #tpu.memory_space<vmem>>, %arg2: memref<1x512x128xf32, #tpu.memory_space<vmem>>, %arg3: memref<1x512x128xf32, #tpu.memory_space<vmem>>, %arg4: memref<1x512x128xf32, #tpu.memory_space<vmem>>, %arg5: memref<512x128xf32, #tpu.memory_space<vmem>>, %arg6: memref<128x256xf32, #tpu.memory_space<vmem>>, %arg7: memref<1x256xf32, #tpu.memory_space<vmem>>, %arg8: memref<128x256xf32, #tpu.memory_space<vmem>>, %arg9: memref<512x256xf32, #tpu.memory_space<vmem>>) attributes {dimension_semantics = [#tpu.dimension_semantics<arbitrary>], iteration_bounds = array<i64: 25>, scalar_prefetch = 0 : i64, scratch_operands = 0 : i64, tpu.core_type = #tpu.core_type<tc>, window_params = [{transform_indices = @transform_0, window_bounds = array<i64: 1, 512, 128>}, {transform_indices = @transform_1, window_bounds = array<i64: 1, 512, 128>}, {transform_indices = @transform_2, window_bounds = array<i64: 1, 512, 128>}, {transform_indices = @transform_3, window_bounds = array<i64: 1, 512, 128>}, {transform_indices = @transform_4, window_bounds = array<i64: 512, 128>}, {pipeline_mode = #tpu.pipeline_mode<synchronous>, transform_indices = @transform_5, window_bounds = array<i64: 128, 256>}, {pipeline_mode = #tpu.pipeline_mode<synchronous>, transform_indices = @transform_6, window_bounds = array<i64: 1, 256>}, {pipeline_mode = #tpu.pipeline_mode<synchronous>, transform_indices = @transform_7, window_bounds = array<i64: 128, 256>}, {transform_indices = @transform_8, window_bounds = array<i64: 512, 256>}]} {
    %get3A = arith.constant 0 : index
    %get3A_0 = arith.constant 0 : index
    %get3A_1 = arith.constant 0 : index
    %get3A_2 = vector.load %arg1[%get3A, %get3A_0, %get3A_1] : memref<1x512x128xf32, #tpu.memory_space<vmem>>, vector<1x512x128xf32>
    %get3A_3 = vector.shape_cast %get3A_2 : vector<1x512x128xf32> to vector<512x128xf32>
    %get3A_4 = arith.constant 0 : index
    %get3A_5 = arith.constant 0 : index
    %get3A_6 = arith.constant 0 : index
    %get3A_7 = vector.load %arg2[%get3A_4, %get3A_5, %get3A_6] : memref<1x512x128xf32, #tpu.memory_space<vmem>>, vector<1x512x128xf32>
    %get3A_8 = vector.shape_cast %get3A_7 : vector<1x512x128xf32> to vector<512x128xf32>
    %add3A = arith.addf %get3A_3, %get3A_8 : vector<512x128xf32>
    %get3A_9 = arith.constant 0 : index
    %get3A_10 = arith.constant 0 : index
    %get3A_11 = arith.constant 0 : index
    %get3A_12 = vector.load %arg3[%get3A_9, %get3A_10, %get3A_11] : memref<1x512x128xf32, #tpu.memory_space<vmem>>, vector<1x512x128xf32>
    %get3A_13 = vector.shape_cast %get3A_12 : vector<1x512x128xf32> to vector<512x128xf32>
    %get3A_14 = arith.constant 0 : index
    %get3A_15 = arith.constant 0 : index
    %get3A_16 = arith.constant 0 : index
    %get3A_17 = vector.load %arg4[%get3A_14, %get3A_15, %get3A_16] : memref<1x512x128xf32, #tpu.memory_space<vmem>>, vector<1x512x128xf32>
    %get3A_18 = vector.shape_cast %get3A_17 : vector<1x512x128xf32> to vector<512x128xf32>
    %add3A_19 = arith.addf %get3A_13, %get3A_18 : vector<512x128xf32>
    %max3A = arith.constant 1.000000e+00 : f32
    %max3A_20 = vector.broadcast %max3A : f32 to vector<512x128xf32>
    %max3A_21 = arith.maximumf %add3A_19, %max3A_20 : vector<512x128xf32>
    %div3A = arith.divf %add3A, %max3A_21 : vector<512x128xf32>
    %get3A_22 = arith.constant 0 : index
    %get3A_23 = arith.constant 0 : index
    %get3A_24 = vector.load %arg6[%get3A_22, %get3A_23] : memref<128x256xf32, #tpu.memory_space<vmem>>, vector<128x256xf32>
    %dot_general3A = arith.constant dense<0.000000e+00> : vector<512x256xf32>
    %dot_general3A_25 = tpu.matmul %div3A, %get3A_24, %dot_general3A {dimension_numbers = #tpu.dot_dimension_numbers<[1], [0], [0], [1], [0, 0, 1, 1], [], []>, transpose_lhs_hint = false} : vector<512x128xf32>, vector<128x256xf32>, vector<512x256xf32> -> vector<512x256xf32>
    %get3A_26 = arith.constant 0 : index
    %get3A_27 = arith.constant 0 : index
    %get3A_28 = vector.load %arg7[%get3A_26, %get3A_27] : memref<1x256xf32, #tpu.memory_space<vmem>>, vector<1x256xf32>
    %add3A_29 = vector.broadcast %get3A_28 : vector<1x256xf32> to vector<512x256xf32>
    %add3A_30 = arith.addf %dot_general3A_25, %add3A_29 : vector<512x256xf32>
    %get3A_31 = arith.constant 0 : index
    %get3A_32 = arith.constant 0 : index
    %get3A_33 = vector.load %arg5[%get3A_31, %get3A_32] : memref<512x128xf32, #tpu.memory_space<vmem>>, vector<512x128xf32>
    %get3A_34 = arith.constant 0 : index
    %get3A_35 = arith.constant 0 : index
    %get3A_36 = vector.load %arg8[%get3A_34, %get3A_35] : memref<128x256xf32, #tpu.memory_space<vmem>>, vector<128x256xf32>
    %dot_general3A_37 = arith.constant dense<0.000000e+00> : vector<512x256xf32>
    %dot_general3A_38 = tpu.matmul %get3A_33, %get3A_36, %dot_general3A_37 {dimension_numbers = #tpu.dot_dimension_numbers<[1], [0], [0], [1], [0, 0, 1, 1], [], []>, transpose_lhs_hint = false} : vector<512x128xf32>, vector<128x256xf32>, vector<512x256xf32> -> vector<512x256xf32>
    %add3A_39 = arith.addf %add3A_30, %dot_general3A_38 : vector<512x256xf32>
    %swap3A = arith.constant 0 : index
    %swap3A_40 = arith.constant 0 : index
    %swap3A_41 = vector.load %arg9[%swap3A, %swap3A_40] : memref<512x256xf32, #tpu.memory_space<vmem>>, vector<512x256xf32>
    tpu.vector_store %arg9[%swap3A, %swap3A_40], %add3A_39 {strides = array<i32>} : memref<512x256xf32, #tpu.memory_space<vmem>>, vector<512x256xf32>,
    return
  }
  func.func @transform_0(%arg0: i32) -> (i32, i32, i32) {
    %c0_i32 = arith.constant 0 : i32
    %c0_i32_0 = arith.constant 0 : i32
    %c0_i32_1 = arith.constant 0 : i32
    return %c0_i32, %arg0, %c0_i32_0 : i32, i32, i32
  }
  func.func @transform_1(%arg0: i32) -> (i32, i32, i32) {
    %c1_i32 = arith.constant 1 : i32
    %c0_i32 = arith.constant 0 : i32
    %c0_i32_0 = arith.constant 0 : i32
    return %c1_i32, %arg0, %c0_i32 : i32, i32, i32
  }
  func.func @transform_2(%arg0: i32) -> (i32, i32, i32) {
    %c0_i32 = arith.constant 0 : i32
    %c0_i32_0 = arith.constant 0 : i32
    %c0_i32_1 = arith.constant 0 : i32
    return %c0_i32, %arg0, %c0_i32_0 : i32, i32, i32
  }
  func.func @transform_3(%arg0: i32) -> (i32, i32, i32) {
    %c1_i32 = arith.constant 1 : i32
    %c0_i32 = arith.constant 0 : i32
    %c0_i32_0 = arith.constant 0 : i32
    return %c1_i32, %arg0, %c0_i32 : i32, i32, i32
  }
  func.func @transform_4(%arg0: i32) -> (i32, i32) {
    %c0_i32 = arith.constant 0 : i32
    %c0_i32_0 = arith.constant 0 : i32
    return %arg0, %c0_i32 : i32, i32
  }
  func.func @transform_5(%arg0: i32) -> (i32, i32) {
    %c0_i32 = arith.constant 0 : i32
    %c0_i32_0 = arith.constant 0 : i32
    %c0_i32_1 = arith.constant 0 : i32
    return %c0_i32, %c0_i32_0 : i32, i32
  }
  func.func @transform_6(%arg0: i32) -> (i32, i32) {
    %c0_i32 = arith.constant 0 : i32
    %c0_i32_0 = arith.constant 0 : i32
    %c0_i32_1 = arith.constant 0 : i32
    return %c0_i32, %c0_i32_0 : i32, i32
  }
  func.func @transform_7(%arg0: i32) -> (i32, i32) {
    %c0_i32 = arith.constant 0 : i32
    %c0_i32_0 = arith.constant 0 : i32
    %c0_i32_1 = arith.constant 0 : i32
    return %c0_i32, %c0_i32_0 : i32, i32
  }
  func.func @transform_8(%arg0: i32) -> (i32, i32) {
    %c0_i32 = arith.constant 0 : i32
    %c0_i32_0 = arith.constant 0 : i32
    return %arg0, %c0_i32 : i32, i32
  }
}

</mosaic_0001>

<sc_bundles>
// kernel: kernel.5.cloned.1.call-start
scs
__scs_entry_jumppad:
0x0: {  	(pc) =	sbr.rel $0x88, $3  }
0x1: {  	(tag) =	ssettag $0x0;
	lr =	simm.s32 $0x1  }
0x2: {  	[smem:$0x3F98] =	sst lr;
	_ =	strace $0xD0000000  }
0x3: {  	_ = 	snop  }
0x4: {  	_ = 	snop  }
0x5: {  	_ = 	snop  }
0x6: {  	_ = 	snop  }
0x7: {  	_ = 	snop  }
__scs_overlays_trampoline_lowered:
0x8: {  	[smem:$0x3FA7] =	sst s0  }
0x9: {  	[smem:$0x3FA8] =	sst s1  }
0xa: {  	[smem:$0x3FA9] =	sst s2  }
0xb: {  	[smem:$0x3FAA] =	sst s3  }
0xc: {  	[smem:$0x3FAB] =	sst s4  }
0xd: {  	[smem:$0x3FAC] =	sst s5  }
0xe: {  	[smem:$0x3FAD] =	sst s6  }
0xf: {  	[smem:$0x3FAE] =	sst s7  }
0x10: {  	[smem:$0x3FAF] =	sst s8  }
0x11: {  	[smem:$0x3FB0] =	sst s9;
	s0 =	simm.s32 @!p0 $0x0  }
0x12: {  	s1 =	sld [smem:$0x3F96];
	s0 =	simm.s32 @p0 $0x1  }
0x13: {  	[smem:$0x3FB1] =	sst s0;
	s0 =	simm.s32 @!p1 $0x0  }
0x14: {  	s2 =	sld [smem:$0x3F95];
	s0 =	simm.s32 @p1 $0x1  }
0x15: {  	[smem:$0x3FB2] =	sst s0;
	s0 =	simm.s32 @!p2 $0x0  }
0x16: {  	s3 =	sld [smem:$0x3FDB];
	s0 =	simm.s32 @p2 $0x1  }
0x17: {  	s4 =	simm.s32 $0x1BF5;
	[smem:$0x3FB4] =	sst s0  }
0x18: {  	s0 =	sld [smem:$0x3F97];
	_ =	swait.ge [sflag:s4], $0x0  }
0x19: {  	s7 =	sld [smem:$0x3F98]  }
0x1a: {  	s8 =	sadd.s32 $0xFFFFE003, lr  }
0x1b: {  	s9 =	sadd.s32 $0xFFFFFEF7, lr;
	s5 =	simm.s32 $0xFFFFFFFF;
	p2 =	slt.u32 s8, $0xFFFFF086  }
0x1c: {  	p1 =	slt.u32 s9, $0xF7A;
	s5 =	simm.s32 @!p2 $0x0  }
0x1d: {  	s5 =	simm.s32 @p1 $0x1;
	p0 =	seq.s32 s7, s2  }
0x1e: {  	s7 =	smul.u32 @!p0 $0xF7A, s2;
	p2 =	seq.s32 @!p0 s5, $0x0  }
0x1f: {  	s9 =	smul.u32 $0xF7A, s1;
	s8 =	simm.s32 @!p0 $0x1BF5;
	p2 =	por !p2, p0  }
0x20: {  	[sflag:s8] =	ssyncset.s32 @!p0 $0xFFFFF086;
	s6 =	sadd.s32 @!p0 s3, s7;
	s7 =	simm.s32 @!p0 $0x108  }
0x21: {  	s3 =	sadd.s32 s3, s9;
	s6 =	sadd.s32 @!p0 $0x88, s6;
	s7 =	simm.s32 @p2 $0x1082  }
0x22: {  	[simem:s7], [sflag:s8] =	dma.local @!p0 [hbm:s6], $0xF7A  }
0x23: {  	s9 =	sor.u32 $0xD0000000, s2;
	s6 =	simm.s32 $0x108;
	_ =	swait.ge @!p0 [sflag:s8], $0x0  }
0x24: {  	s3 =	sadd.s32 $0x88, s3;
	s6 =	simm.s32 @!p1 $0x1082;
	[sflag:s4] =	ssyncset.s32 $0xFFFFF086  }
0x25: {  	[simem:s6], [sflag:s4] =	dma.local [hbm:s3], $0xF7A  }
0x26: {  	[smem:$0x3F98] =	sst s1;
	(tag) =	ssettag s2;
	_ =	strace s9  }
0x27: {  	s1 =	sld [smem:$0x3FA8]  }
0x28: {  	s2 =	sld [smem:$0x3FA9]  }
0x29: {  	s4 =	sld [smem:$0x3FAB]  }
0x2a: {  	p0 =	seq.s32 s5, $0x0;
	s5 =	sld [smem:$0x3FAC]  }
0x2b: {  	s6 =	sld [smem:$0x3FAD]  }
0x2c: {  	s7 =	sld [smem:$0x3FAE]  }
0x2d: {  	s3 =	simm.s32 $0x108;
	s8 =	sld [smem:$0x3FAF]  }
0x2e: {  	s3 =	simm.s32 @!p0 $0x1082;
	s9 =	sld [smem:$0x3FB0]  }
0x2f: {  	lr =	sadd.s32 s0, s3;
	s0 =	sld [smem:$0x3FA7]  }
0x30: {  	s3 =	sld [smem:$0x3FAA]  }
0x31: {  	[smem:$0x3FB3] =	sst s10  }
0x32: {  	s10 =	sld [smem:$0x3FB1];
	_ =	sdelay $0x3  }
0x33: {  	p0 =	seq.s32 s10, $0x1;
	s10 =	sld [smem:$0x3FB3];
	_ =	sdelay $0x3  }
0x34: {  	[smem:$0x3FB3] =	sst s10  }
0x35: {  	s10 =	sld [smem:$0x3FB2];
	_ =	sdelay $0x3  }
0x36: {  	p1 =	seq.s32 s10, $0x1;
	s10 =	sld [smem:$0x3FB3];
	_ =	sdelay $0x3  }
0x37: {  	[smem:$0x3FB3] =	sst s10  }
0x38: {  	s10 =	sld [smem:$0x3FB4]  }
0x39: {  	_ = 	snop;
	(pc) =	sbr.ind lr, $3  }
0x3a: {  	_ = 	snop  }
0x3b: {  	_ = 	snop  }
0x3c: {  	p2 =	seq.s32 s10, $0x1;
	s10 =	sld [smem:$0x3FB3]  }
0x3d: {  	_ =	shalt  }
0x3e: {  	_ =	shalt  }
0x3f: {  	_ =	shalt  }
0x40: {  	_ =	shalt  }
0x41: {  	_ =	shalt  }
0x42: {  	_ =	shalt  }
0x43: {  	_ =	shalt  }
0x44: {  	_ =	shalt  }
0x45: {  	_ =	shalt  }
0x46: {  	_ =	shalt  }
0x47: {  	_ =	shalt  }
0x48: {  	_ =	shalt  }
0x49: {  	_ =	shalt  }
0x4a: {  	_ =	shalt  }
0x4b: {  	_ =	shalt  }
0x4c: {  	_ =	shalt  }
0x4d: {  	_ =	shalt  }
0x4e: {  	_ =	shalt  }
0x4f: {  	_ =	shalt  }
0x50: {  	_ =	shalt  }
0x51: {  	_ =	shalt  }
0x52: {  	_ =	shalt  }
0x53: {  	_ =	shalt  }
0x54: {  	_ =	shalt  }
0x55: {  	_ =	shalt  }
0x56: {  	_ =	shalt  }
0x57: {  	_ =	shalt  }
0x58: {  	_ =	shalt  }
0x59: {  	_ =	shalt  }
0x5a: {  	_ =	shalt  }
0x5b: {  	_ =	shalt  }
0x5c: {  	_ =	shalt  }
0x5d: {  	_ =	shalt  }
0x5e: {  	_ =	shalt  }
0x5f: {  	_ =	shalt  }
0x60: {  	_ =	shalt  }
0x61: {  	_ =	shalt  }
0x62: {  	_ =	shalt  }
0x63: {  	_ =	shalt  }
0x64: {  	_ =	shalt  }
0x65: {  	_ =	shalt  }
0x66: {  	_ =	shalt  }
0x67: {  	_ =	shalt  }
0x68: {  	_ =	shalt  }
0x69: {  	_ =	shalt  }
0x6a: {  	_ =	shalt  }
0x6b: {  	_ =	shalt  }
0x6c: {  	_ =	shalt  }
0x6d: {  	_ =	shalt  }
0x6e: {  	_ =	shalt  }
0x6f: {  	_ =	shalt  }
0x70: {  	_ =	shalt  }
0x71: {  	_ =	shalt  }
0x72: {  	_ =	shalt  }
0x73: {  	_ =	shalt  }
0x74: {  	_ =	shalt  }
0x75: {  	_ =	shalt  }
0x76: {  	_ =	shalt  }
0x77: {  	_ =	shalt  }
0x78: {  	_ =	shalt  }
0x79: {  	_ =	shalt  }
0x7a: {  	_ =	shalt  }
0x7b: {  	_ =	shalt  }
0x7c: {  	_ =	shalt  }
0x7d: {  	_ =	shalt  }
0x7e: {  	_ =	shalt  }
0x7f: {  	_ =	shalt  }
0x80: {  	_ =	shalt  }
0x81: {  	_ =	shalt  }
0x82: {  	_ =	shalt  }
0x83: {  	_ =	shalt  }
0x84: {  	_ =	shalt  }
0x85: {  	_ =	shalt  }
0x86: {  	_ =	shalt  }
0x87: {  	_ =	shalt  }
.Lfunc_end0:
.L_simem_size_0:
called_computation_lowered:
.L_overlay_start_0:
0x88: {  	s2 =	sld [smem:$0x3FD9]  }
0x89: {  	s3 =	sld [smem:$0x3FFE];
	_ =	sdelay $0x1  }
0x8a: {  	s1 =	srdreg.scid  }
0x8b: {  	s0 =	sand.u32 $0x1, s1  }
0x8c: {  	s17 =	sshll.u32 s0, $0xA;
	s2 =	sadd.s32 s3, s2  }
0x8d: {  	s2 =	sadd.s32 s2, s17  }
0x8e: {  	[smem:$0x3FBF] =	sst s2  }
0x8f: {  	_ = 	snop  }
0x90: {  	s2 =	sld [smem:$0x3FD0];
	(tm) =	ssettm $0x1  }
0x91: {  	s18 =	sld [smem:$0x3FFB];
	_ =	sdelay $0x3  }
0x92: {  	_ =	strace s18  }
0x93: {  	s3 =	sld [smem:$0x3FFC];
	_ =	sdelay $0x3  }
0x94: {  	_ =	strace s3  }
0x95: {  	s3 =	sld [smem:$0x3FFD];
	_ =	sdelay $0x3  }
0x96: {  	_ =	strace s3  }
0x97: {  	_ =	strace $0x8FFFFFFF  }
0x98: {  	s19 =	sld [smem:$0x3FDB];
	_ =	sdelay $0x1  }
0x99: {  	s4 =	simm.s32 $_scs_section_size  }
0x9a: {  	s5 =	simm.s32 $_size__tile_overlayer_lowered;
	s6 =	simm.s32 $_tile_overlayer_lowered  }
0x9b: {  	s22 =	simm.s32 $0x1BFF;
	s21 =	sshll.u32 s6, $0x1;
	s3 =	sadd.s32 s4, s19  }
0x9c: {  	s7 =	simm.s32 $0x0;
	s20 =	sshll.u32 s5, $0x1;
	s5 =	sadd.s32 s21, s3  }
0x9d: {  	[timem:s7], [sflag:s22] =	dma.local [hbm:s5], s20  }
0x9e: {  	_ =	swait.ge [sflag:s22], s20  }
0x9f: {  	s4 =	ssub.s32 $0x0, s20;
	[sflag:s22] =	ssyncset.done $0x0  }
0xa0: {  	[sflag:s22] =	ssyncadd.s32 s4;
	_ =	sdelay $0x1  }
0xa1: {  	s23 =	simm.s32 $0x1B8B  }
0xa2: {  	_ =	swait.ge [sflag:s23], $0x1  }
0xa3: {  	[sflag:s23] =	ssyncset.done $0x0  }
0xa4: {  	s25 =	simm.s32 $0x1B8E;
	s24 =	sld [smem:$0x3FFE];
	[sflag:s23] =	ssyncadd.s32 $0xFFFFFFFF  }
0xa5: {  	s26 =	simm.s32 $execute0_lowered;
	[smem:$0x3FD2] =	sst s25  }
0xa6: {  	s5 =	sshll.u32 s26, $0x1;
	_ =	strace $0x80000046;
	[dreg:$0x1] =	wrdreg $0xFFFFFFFF  }
0xa7: {  	s28 =	simm.s32 $_size_execute0_lowered;
	s3 =	sadd.s32 s3, s5;
	[dreg:$0x0] =	wrdreg $0x0  }
0xa8: {  	s5 =	sshll.u32 s28, $0x1;
	[dreg:$0x2] =	wrdreg s3  }
0xa9: {  	[dreg:$0x3] =	wrdreg s5  }
0xaa: {  	[dreg:$0x4] =	wrdreg $0xC0  }
0xab: {  	_ =	task [dreg:s7], $0x5FFFF  }
0xac: {  	[dreg:$0x1] =	wrdreg $0xFFFFFFFF  }
0xad: {  	[dreg:$0x0] =	wrdreg $0x60  }
0xae: {  	[dreg:$0x2] =	wrdreg s24  }
0xaf: {  	[dreg:$0x3] =	wrdreg s2  }
0xb0: {  	[dreg:$0x4] =	wrdreg $0x5B900  }
0xb1: {  	[dreg:$0x5] =	wrdreg $0x1E2900  }
0xb2: {  	[dreg:$0x6] =	wrdreg $0x9  }
0xb3: {  	_ =	task.clear_ibuf [dreg:s7], $0x7FFFF;
	_ =	strace $0x90000046  }
0xb4: {  	s29 =	simm.s32 $0x9;
	_ =	strace $0x80000048  }
0xb5: {  	_ =	swait.ge [sflag:s29], $0x1  }
0xb6: {  	[sflag:s29] =	ssyncadd.s32 $0xFFFFFFFF  }
0xb7: {  	_ =	strace $0x90000048  }
0xb8: {  	_ =	sfence  }
0xb9: {  	s30 =	sld [smem:$0x0];
	_ =	sdelay $0x2  }
0xba: {  	s31 =	sshll.u32 s1, $0xD;
	s1 =	sshrl.u32 s1, $0x2  }
0xbb: {  	s3 =	sand.u32 $0x4000, s31;
	s1 =	sadd.s32 s1, s30  }
0xbc: {  	s0 =	sor.u32 s3, s0;
	s1 =	sshll.u32 s1, $0x11  }
0xbd: {  	s0 =	sor.u32 s1, s0  }
0xbe: {  	s0 =	sadd.s32 $0x8F2B, s0  }
0xbf: {  	[sflag:s0] =	ssyncadd.remote.s32 $0x1  }
0xc0: {  	_ =	sfence.sel $0xFFFF  }
0xc1: {  	[dreg:$0x0] =	wrdreg $0xFFFFFFFF;
	(pc) =	sbr.abs _section_cstart, $3  }
0xc2: {  	[dreg:$0x1] =	wrdreg $0xFFFFFFFF  }
0xc3: {  	_ =	task.clear_ibuf [dreg:s7], $0x2FFFF;
	_ =	strace $0x9FFFFFFF  }
0xc4: {  	(tm) =	ssettm $0x7FFFFFFF  }
0xc5: {  	_ =	shalt  }
tec
execute0_lowered:
.L_overlay_start_1:
0x0: {  	(tag) =	ssettag $0x1  }
0x1: {  	s0 =	rddreg [dreg:$0x0]  }
0x2: {  	s1 =	rddreg [dreg:$0x1]  }
0x3: {  	s2 =	rddreg [dreg:$0x2]  }
0x4: {  	s3 =	rddreg [dreg:$0x3]  }
0x5: {  	s5 =	srdreg.scid;
	s14 =	stileid.u32  }
0x6: {  	s4 =	simm.s32 $0x0;
	s28 =	simm.s32 $0x5A80;
	s10 =	smul.u32 $0x1870, s14  }
0x7: {  	s31 =	simm.s32 $0x2;
	s30 =	simm.s32 $0x280;
	s22 =	smul.u32 $0x18700, s14  }
0x8: {  	s6 =	sand.u32 $0x1, s5;
	s18 =	sshll.u32 s14, $0x1;
	s24 =	smul.u32 $0x61C0, s14  }
0x9: {  	[smem:$0x7FF] =	sst s4;
	s5 =	sadd.s32 $0xC6C00, s0;
	s25 =	smul.u32 $0x61C00, s14  }
0xa: {  	s9 =	sadd.s32 $0x3600, s0;
	s15 =	sadd.s32 $0xF7A00, s0;
	s29 =	smul.u32 $0x61A0, s14  }
0xb: {  	p0 =	sgt.u32 s14, $0x3;
	s14 =	simm.s32 $0x2F80;
	s12 =	smul.u32 $0x187000, s6  }
0xc: {  	s7 =	sor.u32 s6, s18;
	s20 =	ssub.s32 $0x2, s6;
	s6 =	smul.u32 $0x30D0, s6  }
0xd: {  	_ =	strace $0x80000047;
	[dreg:$0xd] =	wrdreg s15;
	s8 =	smul.u32 $0x30D, s7  }
0xe: {  	s19 =	smin.u32 s7, $0x8;
	[dreg:$0xe] =	wrdreg s10;
	s21 =	sshrl.u32 s20, $0x1  }
0xf: {  	s10 =	sadd.s32 s22, s2;
	s16 =	sshrl.u32 s24, $0x2;
	s17 =	sadd.s32 s29, s9  }
0x10: {  	s18 =	sshrl.u32 s25, $0x2;
	s24 =	simm.s32 $0x2E00;
	s25 =	simm.s32 $0x2E80  }
0x11: {  	s7 =	ssub.s32 s20, s21;
	[dreg:$0xf] =	wrdreg s12;
	s12 =	sadd.s32 s22, s12  }
0x12: {  	s6 =	sadd.s32 s6, s17;
	s0 =	sshll.u32 s19, $0x4;
	[dreg:$0xa] =	wrdreg s24  }
0x13: {  	s17 =	simm.s32 $0x500;
	s20 =	simm.s32 $0x100;
	[dreg:$0xb] =	wrdreg s25  }
0x14: {  	s21 =	simm.s32 $0x180;
	s22 =	simm.s32 $0x200;
	[dreg:$0x6] =	wrdreg s20  }
0x15: {  	s29 =	sshrl.u32 s10, $0x3;
	s25 =	simm.s32 $0x380;
	[dreg:$0x7] =	wrdreg s21  }
0x16: {  	s8 =	sadd.s32 s19, s8;
	s26 =	sshrl.u32 s12, $0x3;
	[dreg:$0x8] =	wrdreg s22  }
0x17: {  	s7 =	smax.u32 s7, $0x1;
	s19 =	sadd.s32 s18, s2;
	[dreg:$0x18] =	wrdreg s29  }
0x18: {  	s0 =	sadd.s32 s0, s6;
	s18 =	simm.s32 $0x9;
	[dreg:$0x15] =	wrdreg s7  }
0x19: {  	s6 =	simm.s32 $0x280;
	s21 =	simm.s32 $0x1;
	[dreg:$0x17] =	wrdreg s19  }
0x1a: {  	s22 =	simm.s32 $0x80;
	s1 =	sadd.s32 s1, s26;
	[dreg:$0x5] =	wrdreg s0  }
0x1b: {  	s8 =	sshll.u32 s8, $0x4;
	s7 =	sadd.s32 s16, s3;
	[dreg:$0x14] =	wrdreg s1  }
0x1c: {  	s26 =	simm.s32 $0x2F00;
	s8 =	sadd.s32 s9, s8;
	[dreg:$0x16] =	wrdreg s7  }
0x1d: {  	s12 =	simm.s32 $0x5;
	[dreg:$0xc] =	wrdreg s26;
	s11 =	sadd.s32 $0x30C0, s8  }
0x1e: {  	s0 =	simm.s32 $0x5A00;
	s23 =	sadd.s32 $0x64B40, s8;
	[dreg:$0x10] =	wrdreg s11  }
0x1f: {  	s16 =	simm.s32 $0x400;
	s13 =	sadd.s32 $0x30D0, s8;
	[dreg:$0x11] =	wrdreg s23  }
0x20: {  	s9 =	simm.s32 $0x1500;
	s8 =	sadd.s32 $0x64B50, s8;
	[dreg:$0x12] =	wrdreg s13  }
0x21: {  	v2 =	vlaneseq.u32;
	s7 =	simm.s32 $0x6;
	[dreg:$0x13] =	wrdreg s8;
	s23 =	simm.s32 $0x2D80  }
0x22: {  	v0 =	vimm.f32 $0.0e+00;
	v1 =	vimm.f32 $1.000000000e+00;
	v2 =	vmul.u32 $0x10, v2;
	s8 =	simm.s32 $0x0;
	[dreg:$0x9] =	wrdreg s23;
	s23 =	simm.s32 $0x4A00  }
.LBB2_1:
0x23: {  	s24 =	simm.s32 $0x40;
	s26 =	simm.s32 $0x0  }
.LBB2_2:
0x24: {  	p1 =	sne.s32 s24, $0x43C0;
	[tilespmem:s26+$0x500] =	vst v0;
	s26 =	smov.u32 s24;
	s24 =	sadd.s32 $0x40, s24  }
.Ltmp0:
0x25: {  	(pc) =	sbr.rel @p1 .LBB2_2-.Ltmp0, $2  }
0x26: {  	_ =	sdelay $0x2  }
0x27: {  	s26 =	sshra.s32 s26, $0x2  }
0x28: {  	[tilespmem:s26+$0x500] =	vst v0  }
0x29: {  	[tilespmem:$0x5A80] =	vst v0  }
0x2a: {  	[tilespmem:$0x5A90] =	vst v0  }
0x2b: {  	[tilespmem:$0x5AA0] =	vst v0  }
0x2c: {  	[tilespmem:$0x5AB0] =	vst v0  }
0x2d: {  	[tilespmem:$0x5AC0] =	vst v0  }
0x2e: {  	[tilespmem:$0x5AD0] =	vst v0  }
0x2f: {  	[tilespmem:$0x5AE0] =	vst v0  }
0x30: {  	[tilespmem:$0x5AF0] =	vst v0  }
0x31: {  	[tilespmem:$0x5B00] =	vst v0  }
0x32: {  	[tilespmem:$0x5B10] =	vst v0  }
0x33: {  	[tilespmem:$0x5B20] =	vst v0  }
0x34: {  	[tilespmem:$0x5B30] =	vst v0  }
0x35: {  	[tilespmem:$0x5B40] =	vst v0  }
0x36: {  	[tilespmem:$0x5B50] =	vst v0  }
0x37: {  	[tilespmem:$0x5B60] =	vst v0  }
0x38: {  	[tilespmem:$0x5B70] =	vst v0  }
0x39: {  	[tilespmem:$0x5B80] =	vst v0  }
0x3a: {  	[tilespmem:$0x5A00] =	vst v1  }
0x3b: {  	[tilespmem:$0x5A10] =	vst v1  }
0x3c: {  	[tilespmem:$0x5A20] =	vst v1  }
0x3d: {  	[tilespmem:$0x5A30] =	vst v1  }
0x3e: {  	[tilespmem:$0x5A40] =	vst v1  }
0x3f: {  	[tilespmem:$0x5A50] =	vst v1  }
0x40: {  	[dreg:$0x19] =	wrdreg s8;
	[tilespmem:$0x5A60] =	vst v1  }
0x41: {  	s26 =	rddreg [dreg:$0x17];
	[tilespmem:$0x5A70] =	vst v1  }
0x42: {  	[spmem:s26] =	stream.linear.scatter [tilespmem:s17], [sflag:$0x9], $0x1100, $0x38;
	[tilespmem:$0x1FB00] =	vst v63  }
0x43: {  	_ =	swait.ge [sflag:s18], $0x1100  }
0x44: {  	[sflag:s18] =	ssyncset.done $0x0;
	s1 =	rddreg [dreg:$0x16]  }
0x45: {  	[sflag:s18] =	ssyncadd.s32 $0xFFFFEF00;
	s24 =	sadd.s32 $0x0, s1  }
0x46: {  	[spmem:s24] =	stream.linear.scatter [tilespmem:s28], [sflag:$0x9], $0x110, $0x38;
	[tilespmem:$0x1FB00] =	vst v63  }
0x47: {  	_ =	swait.ge [sflag:s18], $0x110  }
0x48: {  	s29 =	simm.s32 $0x5A80;
	s24 =	simm.s32 $0x440;
	[sflag:s18] =	ssyncset.done $0x0  }
.LBB2_4:
0x49: {  	p1 =	sne.s32 s24, $0x5D80;
	[sflag:s18] =	ssyncadd.s32 $0xFFFFFEF0;
	s26 =	sadd.s32 $0x1100, s26  }
0x4a: {  	[spmem:s26] =	stream.linear.scatter [tilespmem:s17], [sflag:$0x9], $0x1100, $0x38;
	[tilespmem:$0x1FB00] =	vst v63  }
0x4b: {  	s28 =	smov.u32 s24;
	s24 =	sadd.s32 $0x440, s24;
	_ =	swait.ge [sflag:s18], $0x1100  }
.Ltmp1:
0x4c: {  	s28 =	sshra.s32 s28, $0x2;
	[sflag:s18] =	ssyncset.done $0x0;
	(pc) =	sbr.rel @p1 .LBB2_4-.Ltmp1, $4  }
0x4d: {  	s28 =	sadd.s32 s28, s1;
	[sflag:s18] =	ssyncadd.s32 $0xFFFFEF00  }
0x4e: {  	[spmem:s28] =	stream.linear.scatter [tilespmem:s29], [sflag:$0x9], $0x110, $0x38;
	[tilespmem:$0x1FB00] =	vst v63  }
0x4f: {  	_ =	swait.ge [sflag:s18], $0x110  }
0x50: {  	[sflag:s18] =	ssyncset.done $0x0  }
0x51: {  	p1 =	por $0x1, $0x1  }
0x52: {  	[sflag:s18] =	ssyncadd.s32 $0xFFFFFEF0;
	p1 =	por p1, p1  }
0x53: {  	[bflag:$0x0] =	sbarrier.arrive $0xFFFF;
	s24 =	simm.s32 @!p1 $0x3  }
0x54: {  	_ =	swait.ge @!p1 [sflag:s24], $0x800  }
0x55: {  	[sflag:s24] =	ssyncset.done @!p1 $0x0  }
0x56: {  	s26 =	simm.s32 @!p1 $0x4;
	[sflag:s24] =	ssyncadd.s32 @!p1 $0xFFFFF800  }
0x57: {  	_ =	swait.ge @!p1 [sflag:s26], $0x80  }
0x58: {  	[sflag:s26] =	ssyncset.done @!p1 $0x0  }
0x59: {  	[sflag:s26] =	ssyncadd.s32 @!p1 $0xFFFFFF80  }
0x5a: {  	_ =	swait.ge @!p1 [sflag:s24], $0x800  }
0x5b: {  	[sflag:s24] =	ssyncset.done @!p1 $0x0  }
0x5c: {  	[sflag:s24] =	ssyncadd.s32 @!p1 $0xFFFFF800  }
0x5d: {  	_ =	swait.ge @!p1 [sflag:s26], $0x80  }
0x5e: {  	[sflag:s26] =	ssyncset.done @!p1 $0x0  }
0x5f: {  	[sflag:s26] =	ssyncadd.s32 @!p1 $0xFFFFFF80  }
0x60: {  	_ =	swait.ge @!p1 [sflag:s24], $0x800  }
0x61: {  	[sflag:s24] =	ssyncset.done @!p1 $0x0  }
0x62: {  	[sflag:s24] =	ssyncadd.s32 @!p1 $0xFFFFF800  }
0x63: {  	_ =	swait.ge @!p1 [sflag:s26], $0x80  }
0x64: {  	[sflag:s26] =	ssyncset.done @!p1 $0x0  }
0x65: {  	[sflag:s26] =	ssyncadd.s32 @!p1 $0xFFFFFF80  }
0x66: {  	_ =	swait.ge @!p1 [sflag:s24], $0x800  }
0x67: {  	[sflag:s24] =	ssyncset.done @!p1 $0x0  }
0x68: {  	[sflag:s24] =	ssyncadd.s32 @!p1 $0xFFFFF800  }
0x69: {  	_ =	swait.ge @!p1 [sflag:s26], $0x80  }
0x6a: {  	[sflag:s26] =	ssyncset.done @!p1 $0x0  }
0x6b: {  	[sflag:s26] =	ssyncadd.s32 @!p1 $0xFFFFFF80  }
0x6c: {  	_ =	swait.ge @!p1 [sflag:s24], $0x800  }
0x6d: {  	[sflag:s24] =	ssyncset.done @!p1 $0x0  }
0x6e: {  	[sflag:s24] =	ssyncadd.s32 @!p1 $0xFFFFF800  }
0x6f: {  	_ =	swait.ge @!p1 [sflag:s26], $0x80  }
0x70: {  	s11 =	rddreg [dreg:$0x5];
	[sflag:s26] =	ssyncset.done @!p1 $0x0  }
0x71: {  	[sflag:s26] =	ssyncadd.s32 @!p1 $0xFFFFFF80;
	s24 =	sadd.s32 $0x0, s11  }
0x72: {  	[tilespmem:s4], [sflag:$0x1] =	stream.linear.gather [hbm4b:s24+s4], $0x280, $0x38;
	[tilespmem:$0x1FB00] =	vst v63  }
0x73: {  	s28 =	simm.s32 @!p1 $0x7;
	s13 =	sadd.s32 $0x61A80, s24  }
0x74: {  	[tilespmem:s6], [sflag:$0x1] =	stream.linear.gather [hbm4b:s13+s4], $0x280, $0x38;
	[tilespmem:$0x1FB00] =	vst v63  }
0x75: {  	_ =	swait.ge @!p1 [sflag:s28], $0x800  }
0x76: {  	[sflag:s28] =	ssyncset.done @!p1 $0x0  }
0x77: {  	s26 =	simm.s32 @!p1 $0x8;
	[sflag:s28] =	ssyncadd.s32 @!p1 $0xFFFFF800  }
0x78: {  	_ =	swait.ge @!p1 [sflag:s26], $0x80  }
0x79: {  	[sflag:s26] =	ssyncset.done @!p1 $0x0  }
0x7a: {  	[sflag:s26] =	ssyncadd.s32 @!p1 $0xFFFFFF80  }
0x7b: {  	_ =	swait.ge @!p1 [sflag:s28], $0x800  }
0x7c: {  	[sflag:s28] =	ssyncset.done @!p1 $0x0  }
0x7d: {  	[sflag:s28] =	ssyncadd.s32 @!p1 $0xFFFFF800  }
0x7e: {  	_ =	swait.ge @!p1 [sflag:s26], $0x80  }
0x7f: {  	[sflag:s26] =	ssyncset.done @!p1 $0x0  }
0x80: {  	[sflag:s26] =	ssyncadd.s32 @!p1 $0xFFFFFF80  }
0x81: {  	_ =	swait.ge @!p1 [sflag:s28], $0x800  }
0x82: {  	[sflag:s28] =	ssyncset.done @!p1 $0x0  }
0x83: {  	[sflag:s28] =	ssyncadd.s32 @!p1 $0xFFFFF800  }
0x84: {  	_ =	swait.ge @!p1 [sflag:s26], $0x80  }
0x85: {  	[sflag:s26] =	ssyncset.done @!p1 $0x0  }
0x86: {  	[sflag:s26] =	ssyncadd.s32 @!p1 $0xFFFFFF80  }
0x87: {  	_ =	swait.ge @!p1 [sflag:s28], $0x800  }
0x88: {  	[sflag:s28] =	ssyncset.done @!p1 $0x0  }
0x89: {  	[sflag:s28] =	ssyncadd.s32 @!p1 $0xFFFFF800  }
0x8a: {  	_ =	swait.ge @!p1 [sflag:s26], $0x80  }
0x8b: {  	[sflag:s26] =	ssyncset.done @!p1 $0x0  }
0x8c: {  	[sflag:s26] =	ssyncadd.s32 @!p1 $0xFFFFFF80  }
0x8d: {  	_ =	swait.ge @!p1 [sflag:s28], $0x800  }
0x8e: {  	[sflag:s28] =	ssyncset.done @!p1 $0x0  }
0x8f: {  	[sflag:s28] =	ssyncadd.s32 @!p1 $0xFFFFF800  }
0x90: {  	_ =	swait.ge @!p1 [sflag:s26], $0x80  }
0x91: {  	[sflag:s26] =	ssyncset.done @!p1 $0x0  }
0x92: {  	[sflag:s26] =	ssyncadd.s32 @!p1 $0xFFFFFF80  }
0x93: {  	_ =	swait.ge [sflag:s21], $0x280  }
0x94: {  	[sflag:s21] =	ssyncset.done $0x0  }
0x95: {  	[sflag:s21] =	ssyncadd.s32 $0xFFFFFD80  }
0x96: {  	_ =	swait.ge [sflag:s21], $0x280  }
0x97: {  	[sflag:s21] =	ssyncset.done $0x0  }
0x98: {  	[sflag:s21] =	ssyncadd.s32 $0xFFFFFD80  }
0x99: {  	[tilespmem:s17], [sflag:$0x2] =	stream.indirect.gather [hbm4b:s5+s22], $0x10, s4, s22, $0xb8;
	[tilespmem:$0x1FB00] =	vst v63  }
0x9a: {  	s1 =	simm.s32 $0xD00  }
0x9b: {  	[tilespmem:s1], [sflag:$0x2] =	stream.indirect.gather [hbm4b:s5+s22], $0x10, s22, s22, $0xb8;
	[tilespmem:$0x1FB00] =	vst v63  }
0x9c: {  	s15 =	rddreg [dreg:$0x6]  }
0x9d: {  	[tilespmem:s9], [sflag:$0x2] =	stream.indirect.gather [hbm4b:s5+s22], $0x10, s15, s22, $0xb8;
	[tilespmem:$0x1FB00] =	vst v63  }
0x9e: {  	s11 =	simm.s32 $0x1D00;
	s19 =	rddreg [dreg:$0x7]  }
0x9f: {  	[tilespmem:s11], [sflag:$0x2] =	stream.indirect.gather [hbm4b:s5+s22], $0x10, s19, s22, $0xb8;
	[tilespmem:$0x1FB00] =	vst v63  }
0xa0: {  	s10 =	simm.s32 $0x2500;
	s20 =	rddreg [dreg:$0x8]  }
0xa1: {  	[tilespmem:s10], [sflag:$0x2] =	stream.indirect.gather [hbm4b:s5+s22], $0x10, s20, s22, $0xb8;
	[tilespmem:$0x1FB00] =	vst v63  }
0xa2: {  	s8 =	simm.s32 $0x2D00;
	s28 =	sadd.s32 $0x50, s24  }
0xa3: {  	[tilespmem:s8], [sflag:$0x5] =	stream.linear.gather [hbm4b:s28+s4], $0x280, $0x38;
	[tilespmem:$0x1FB00] =	vst v63  }
0xa4: {  	s24 =	sadd.s32 $0x61AD0, s24  }
0xa5: {  	[tilespmem:s14], [sflag:$0x5] =	stream.linear.gather [hbm4b:s24+s4], $0x280, $0x38;
	[tilespmem:$0x1FB00] =	vst v63  }
0xa6: {  	_ =	swait.ge [sflag:s31], $0x800  }
0xa7: {  	[sflag:s31] =	ssyncset.done $0x0  }
0xa8: {  	[sflag:s31] =	ssyncadd.s32 $0xFFFFF800  }
0xa9: {  	_ =	swait.ge [sflag:s31], $0x800  }
0xaa: {  	[sflag:s31] =	ssyncset.done $0x0  }
0xab: {  	[sflag:s31] =	ssyncadd.s32 $0xFFFFF800  }
0xac: {  	_ =	swait.ge [sflag:s31], $0x800  }
0xad: {  	[sflag:s31] =	ssyncset.done $0x0  }
0xae: {  	[sflag:s31] =	ssyncadd.s32 $0xFFFFF800  }
0xaf: {  	_ =	swait.ge [sflag:s31], $0x800  }
0xb0: {  	[sflag:s31] =	ssyncset.done $0x0  }
0xb1: {  	[sflag:s31] =	ssyncadd.s32 $0xFFFFF800  }
0xb2: {  	_ =	swait.ge [sflag:s31], $0x800  }
0xb3: {  	[sflag:s31] =	ssyncset.done $0x0  }
0xb4: {  	[sflag:s31] =	ssyncadd.s32 $0xFFFFF800  }
0xb5: {  	[spmem:s2] =	stream.indirect.scatter.add.f32 [tilespmem:s17], [sflag:$0x3], $0x10, s6, s22, $0xb8;
	[tilespmem:$0x1FB00] =	vst v63  }
0xb6: {  	_ = 	snop  }
0xb7: {  	[spmem:s3] =	stream.indirect.scatter.add.f32 [tilespmem:s0], [sflag:$0x4], $0x1, s6, s22, $0xb8;
	[tilespmem:$0x1FB00] =	vst v63  }
0xb8: {  	s13 =	simm.s32 $0x300  }
0xb9: {  	[spmem:s2] =	stream.indirect.scatter.add.f32 [tilespmem:s1], [sflag:$0x3], $0x10, s13, s22, $0xb8;
	[tilespmem:$0x1FB00] =	vst v63  }
0xba: {  	_ = 	snop  }
0xbb: {  	[spmem:s3] =	stream.indirect.scatter.add.f32 [tilespmem:s0], [sflag:$0x4], $0x1, s13, s22, $0xb8;
	[tilespmem:$0x1FB00] =	vst v63  }
0xbc: {  	_ = 	snop  }
0xbd: {  	[spmem:s2] =	stream.indirect.scatter.add.f32 [tilespmem:s9], [sflag:$0x3], $0x10, s25, s22, $0xb8;
	[tilespmem:$0x1FB00] =	vst v63  }
0xbe: {  	_ = 	snop  }
0xbf: {  	[spmem:s3] =	stream.indirect.scatter.add.f32 [tilespmem:s0], [sflag:$0x4], $0x1, s25, s22, $0xb8;
	[tilespmem:$0x1FB00] =	vst v63  }
0xc0: {  	_ = 	snop  }
0xc1: {  	[spmem:s2] =	stream.indirect.scatter.add.f32 [tilespmem:s11], [sflag:$0x3], $0x10, s16, s22, $0xb8;
	[tilespmem:$0x1FB00] =	vst v63  }
0xc2: {  	_ = 	snop  }
0xc3: {  	[spmem:s3] =	stream.indirect.scatter.add.f32 [tilespmem:s0], [sflag:$0x4], $0x1, s16, s22, $0xb8;
	[tilespmem:$0x1FB00] =	vst v63  }
0xc4: {  	s6 =	simm.s32 $0x480  }
0xc5: {  	[spmem:s2] =	stream.indirect.scatter.add.f32 [tilespmem:s10], [sflag:$0x3], $0x10, s6, s22, $0xb8;
	[tilespmem:$0x1FB00] =	vst v63  }
0xc6: {  	_ = 	snop  }
0xc7: {  	[spmem:s3] =	stream.indirect.scatter.add.f32 [tilespmem:s0], [sflag:$0x4], $0x1, s6, s22, $0xb8;
	[tilespmem:$0x1FB00] =	vst v63  }
0xc8: {  	_ =	swait.ge [sflag:s12], $0x280  }
0xc9: {  	[sflag:s12] =	ssyncset.done $0x0  }
0xca: {  	[sflag:s12] =	ssyncadd.s32 $0xFFFFFD80  }
0xcb: {  	_ =	swait.ge [sflag:s12], $0x280  }
0xcc: {  	[sflag:s12] =	ssyncset.done $0x0  }
0xcd: {  	s1 =	simm.s32 $0x3200;
	[sflag:s12] =	ssyncadd.s32 $0xFFFFFD80  }
0xce: {  	[tilespmem:s1], [sflag:$0x6] =	stream.indirect.gather [hbm4b:s5+s22], $0x10, s8, s22, $0xb8;
	[tilespmem:$0x1FB00] =	vst v63  }
0xcf: {  	s11 =	simm.s32 $0x3A00;
	s29 =	rddreg [dreg:$0x9]  }
0xd0: {  	[tilespmem:s11], [sflag:$0x6] =	stream.indirect.gather [hbm4b:s5+s22], $0x10, s29, s22, $0xb8;
	[tilespmem:$0x1FB00] =	vst v63  }
0xd1: {  	s19 =	simm.s32 $0x4200;
	s10 =	rddreg [dreg:$0xa]  }
0xd2: {  	[tilespmem:s19], [sflag:$0x6] =	stream.indirect.gather [hbm4b:s5+s22], $0x10, s10, s22, $0xb8;
	[tilespmem:$0x1FB00] =	vst v63  }
0xd3: {  	s15 =	rddreg [dreg:$0xb]  }
0xd4: {  	[tilespmem:s23], [sflag:$0x6] =	stream.indirect.gather [hbm4b:s5+s22], $0x10, s15, s22, $0xb8;
	[tilespmem:$0x1FB00] =	vst v63  }
0xd5: {  	s24 =	simm.s32 $0x5200;
	s20 =	rddreg [dreg:$0xc]  }
0xd6: {  	[tilespmem:s24], [sflag:$0x6] =	stream.indirect.gather [hbm4b:s5+s22], $0x10, s20, s22, $0xb8;
	[tilespmem:$0x1FB00] =	vst v63  }
0xd7: {  	_ =	swait.ge [sflag:s7], $0x800  }
0xd8: {  	[sflag:s7] =	ssyncset.done $0x0  }
0xd9: {  	[sflag:s7] =	ssyncadd.s32 $0xFFFFF800  }
0xda: {  	_ =	swait.ge [sflag:s7], $0x800  }
0xdb: {  	[sflag:s7] =	ssyncset.done $0x0  }
0xdc: {  	[sflag:s7] =	ssyncadd.s32 $0xFFFFF800  }
0xdd: {  	_ =	swait.ge [sflag:s7], $0x800  }
0xde: {  	[sflag:s7] =	ssyncset.done $0x0  }
0xdf: {  	[sflag:s7] =	ssyncadd.s32 $0xFFFFF800  }
0xe0: {  	_ =	swait.ge [sflag:s7], $0x800  }
0xe1: {  	[sflag:s7] =	ssyncset.done $0x0  }
0xe2: {  	[sflag:s7] =	ssyncadd.s32 $0xFFFFF800  }
0xe3: {  	_ =	swait.ge [sflag:s7], $0x800  }
0xe4: {  	[sflag:s7] =	ssyncset.done $0x0  }
0xe5: {  	[sflag:s7] =	ssyncadd.s32 $0xFFFFF800  }
0xe6: {  	[spmem:s2] =	stream.indirect.scatter.add.f32 [tilespmem:s1], [sflag:$0x7], $0x10, s14, s22, $0xb8;
	[tilespmem:$0x1FB00] =	vst v63  }
0xe7: {  	_ = 	snop  }
0xe8: {  	[spmem:s3] =	stream.indirect.scatter.add.f32 [tilespmem:s0], [sflag:$0x8], $0x1, s14, s22, $0xb8;
	[tilespmem:$0x1FB00] =	vst v63  }
0xe9: {  	s28 =	simm.s32 $0x3000  }
0xea: {  	[spmem:s2] =	stream.indirect.scatter.add.f32 [tilespmem:s11], [sflag:$0x7], $0x10, s28, s22, $0xb8;
	[tilespmem:$0x1FB00] =	vst v63  }
0xeb: {  	_ = 	snop  }
0xec: {  	[spmem:s3] =	stream.indirect.scatter.add.f32 [tilespmem:s0], [sflag:$0x8], $0x1, s28, s22, $0xb8;
	[tilespmem:$0x1FB00] =	vst v63  }
0xed: {  	s8 =	simm.s32 $0x3080  }
0xee: {  	[spmem:s2] =	stream.indirect.scatter.add.f32 [tilespmem:s19], [sflag:$0x7], $0x10, s8, s22, $0xb8;
	[tilespmem:$0x1FB00] =	vst v63  }
0xef: {  	_ = 	snop  }
0xf0: {  	[spmem:s3] =	stream.indirect.scatter.add.f32 [tilespmem:s0], [sflag:$0x8], $0x1, s8, s22, $0xb8;
	[tilespmem:$0x1FB00] =	vst v63  }
0xf1: {  	s11 =	simm.s32 $0x3100  }
0xf2: {  	[spmem:s2] =	stream.indirect.scatter.add.f32 [tilespmem:s23], [sflag:$0x7], $0x10, s11, s22, $0xb8;
	[tilespmem:$0x1FB00] =	vst v63  }
0xf3: {  	p6 =	por $0x0, $0x0  }
0xf4: {  	[spmem:s3] =	stream.indirect.scatter.add.f32 [tilespmem:s0], [sflag:$0x8], $0x1, s11, s22, $0xb8;
	[tilespmem:$0x1FB00] =	vst v63  }
0xf5: {  	s26 =	simm.s32 $0x140;
	p1 =	por p6, p6;
	s29 =	simm.s32 $0x3180  }
0xf6: {  	[spmem:s2] =	stream.indirect.scatter.add.f32 [tilespmem:s24], [sflag:$0x7], $0x10, s29, s22, $0xb8;
	[tilespmem:$0x1FB00] =	vst v63  }
0xf7: {  	s1 =	simm.s32 $0x3180;
	s14 =	simm.s32 $0x2F80;
	s24 =	simm.s32 $0xA0  }
.LBB2_6:
0xf8: {  	[spmem:s3] =	stream.indirect.scatter.add.f32 [tilespmem:s0], [sflag:$0x8], $0x1, s1, s22, $0xb8;
	[tilespmem:$0x1FB00] =	vst v63  }
0xf9: {  	s28 =	simm.s32 @!p1 $0x3  }
0xfa: {  	_ =	swait.ge @!p1 [sflag:s28], $0x800  }
0xfb: {  	[sflag:s28] =	ssyncset.done @!p1 $0x0  }
0xfc: {  	s1 =	simm.s32 @!p1 $0x4;
	[sflag:s28] =	ssyncadd.s32 @!p1 $0xFFFFF800  }
0xfd: {  	_ =	swait.ge @!p1 [sflag:s1], $0x80  }
0xfe: {  	[sflag:s1] =	ssyncset.done @!p1 $0x0  }
0xff: {  	[sflag:s1] =	ssyncadd.s32 @!p1 $0xFFFFFF80  }
0x100: {  	_ =	swait.ge @!p1 [sflag:s28], $0x800  }
0x101: {  	[sflag:s28] =	ssyncset.done @!p1 $0x0  }
0x102: {  	[sflag:s28] =	ssyncadd.s32 @!p1 $0xFFFFF800  }
0x103: {  	_ =	swait.ge @!p1 [sflag:s1], $0x80  }
0x104: {  	[sflag:s1] =	ssyncset.done @!p1 $0x0  }
0x105: {  	[sflag:s1] =	ssyncadd.s32 @!p1 $0xFFFFFF80  }
0x106: {  	_ =	swait.ge @!p1 [sflag:s28], $0x800  }
0x107: {  	[sflag:s28] =	ssyncset.done @!p1 $0x0  }
0x108: {  	[sflag:s28] =	ssyncadd.s32 @!p1 $0xFFFFF800  }
0x109: {  	_ =	swait.ge @!p1 [sflag:s1], $0x80  }
0x10a: {  	[sflag:s1] =	ssyncset.done @!p1 $0x0  }
0x10b: {  	[sflag:s1] =	ssyncadd.s32 @!p1 $0xFFFFFF80  }
0x10c: {  	_ =	swait.ge @!p1 [sflag:s28], $0x800  }
0x10d: {  	[sflag:s28] =	ssyncset.done @!p1 $0x0  }
0x10e: {  	[sflag:s28] =	ssyncadd.s32 @!p1 $0xFFFFF800  }
0x10f: {  	_ =	swait.ge @!p1 [sflag:s1], $0x80  }
0x110: {  	[sflag:s1] =	ssyncset.done @!p1 $0x0  }
0x111: {  	[sflag:s1] =	ssyncadd.s32 @!p1 $0xFFFFFF80  }
0x112: {  	_ =	swait.ge @!p1 [sflag:s28], $0x800  }
0x113: {  	[sflag:s28] =	ssyncset.done @!p1 $0x0  }
0x114: {  	[sflag:s28] =	ssyncadd.s32 @!p1 $0xFFFFF800  }
0x115: {  	_ =	swait.ge @!p1 [sflag:s1], $0x80  }
0x116: {  	s29 =	smov.u32 s26;
	s28 =	rddreg [dreg:$0x5];
	[sflag:s1] =	ssyncset.done @!p1 $0x0  }
0x117: {  	p3 =	seq.s32 s29, $0x0;
	[sflag:s1] =	ssyncadd.s32 @!p1 $0xFFFFFF80;
	s28 =	sadd.s32 s24, s28  }
0x118: {  	[tilespmem:s4], [sflag:$0x1] =	stream.linear.gather [hbm4b:s28+s4], $0x280, $0x38;
	[tilespmem:$0x1FB00] =	vst v63  }
0x119: {  	s24 =	smov.u32 s29;
	s29 =	simm.s32 @!p1 $0x7;
	s15 =	sadd.s32 $0x61A80, s28  }
0x11a: {  	[tilespmem:s30], [sflag:$0x1] =	stream.linear.gather [hbm4b:s15+s4], $0x280, $0x38;
	[tilespmem:$0x1FB00] =	vst v63  }
0x11b: {  	_ =	swait.ge @!p1 [sflag:s29], $0x800  }
0x11c: {  	[sflag:s29] =	ssyncset.done @!p1 $0x0  }
0x11d: {  	s1 =	simm.s32 @!p1 $0x8;
	[sflag:s29] =	ssyncadd.s32 @!p1 $0xFFFFF800  }
0x11e: {  	_ =	swait.ge @!p1 [sflag:s1], $0x80  }
0x11f: {  	[sflag:s1] =	ssyncset.done @!p1 $0x0  }
0x120: {  	[sflag:s1] =	ssyncadd.s32 @!p1 $0xFFFFFF80  }
0x121: {  	_ =	swait.ge @!p1 [sflag:s29], $0x800  }
0x122: {  	[sflag:s29] =	ssyncset.done @!p1 $0x0  }
0x123: {  	[sflag:s29] =	ssyncadd.s32 @!p1 $0xFFFFF800  }
0x124: {  	_ =	swait.ge @!p1 [sflag:s1], $0x80  }
0x125: {  	[sflag:s1] =	ssyncset.done @!p1 $0x0  }
0x126: {  	[sflag:s1] =	ssyncadd.s32 @!p1 $0xFFFFFF80  }
0x127: {  	_ =	swait.ge @!p1 [sflag:s29], $0x800  }
0x128: {  	[sflag:s29] =	ssyncset.done @!p1 $0x0  }
0x129: {  	[sflag:s29] =	ssyncadd.s32 @!p1 $0xFFFFF800  }
0x12a: {  	_ =	swait.ge @!p1 [sflag:s1], $0x80  }
0x12b: {  	[sflag:s1] =	ssyncset.done @!p1 $0x0  }
0x12c: {  	[sflag:s1] =	ssyncadd.s32 @!p1 $0xFFFFFF80  }
0x12d: {  	_ =	swait.ge @!p1 [sflag:s29], $0x800  }
0x12e: {  	[sflag:s29] =	ssyncset.done @!p1 $0x0  }
0x12f: {  	[sflag:s29] =	ssyncadd.s32 @!p1 $0xFFFFF800  }
0x130: {  	_ =	swait.ge @!p1 [sflag:s1], $0x80  }
0x131: {  	[sflag:s1] =	ssyncset.done @!p1 $0x0  }
0x132: {  	[sflag:s1] =	ssyncadd.s32 @!p1 $0xFFFFFF80  }
0x133: {  	_ =	swait.ge @!p1 [sflag:s29], $0x800  }
0x134: {  	[sflag:s29] =	ssyncset.done @!p1 $0x0  }
0x135: {  	[sflag:s29] =	ssyncadd.s32 @!p1 $0xFFFFF800  }
0x136: {  	_ =	swait.ge @!p1 [sflag:s1], $0x80  }
0x137: {  	[sflag:s1] =	ssyncset.done @!p1 $0x0  }
0x138: {  	[sflag:s1] =	ssyncadd.s32 @!p1 $0xFFFFFF80  }
0x139: {  	_ =	swait.ge [sflag:s21], $0x280  }
0x13a: {  	[sflag:s21] =	ssyncset.done $0x0  }
0x13b: {  	[sflag:s21] =	ssyncadd.s32 $0xFFFFFD80  }
0x13c: {  	_ =	swait.ge [sflag:s21], $0x280  }
0x13d: {  	[sflag:s21] =	ssyncset.done $0x0  }
0x13e: {  	[sflag:s21] =	ssyncadd.s32 $0xFFFFFD80  }
0x13f: {  	[tilespmem:s17], [sflag:$0x2] =	stream.indirect.gather [hbm4b:s5+s22], $0x10, s4, s22, $0xb8;
	[tilespmem:$0x1FB00] =	vst v63  }
0x140: {  	s9 =	simm.s32 $0xD00  }
0x141: {  	[tilespmem:s9], [sflag:$0x2] =	stream.indirect.gather [hbm4b:s5+s22], $0x10, s22, s22, $0xb8;
	[tilespmem:$0x1FB00] =	vst v63  }
0x142: {  	s19 =	rddreg [dreg:$0x6];
	s9 =	simm.s32 $0x1500  }
0x143: {  	[tilespmem:s9], [sflag:$0x2] =	stream.indirect.gather [hbm4b:s5+s22], $0x10, s19, s22, $0xb8;
	[tilespmem:$0x1FB00] =	vst v63  }
0x144: {  	s29 =	rddreg [dreg:$0x7];
	s19 =	simm.s32 $0x1D00  }
0x145: {  	[tilespmem:s19], [sflag:$0x2] =	stream.indirect.gather [hbm4b:s5+s22], $0x10, s29, s22, $0xb8;
	[tilespmem:$0x1FB00] =	vst v63  }
0x146: {  	s15 =	simm.s32 $0x2500;
	s10 =	rddreg [dreg:$0x8]  }
0x147: {  	[tilespmem:s15], [sflag:$0x2] =	stream.indirect.gather [hbm4b:s5+s22], $0x10, s10, s22, $0xb8;
	[tilespmem:$0x1FB00] =	vst v63  }
0x148: {  	s1 =	sadd.s32 $0x50, s28;
	s10 =	simm.s32 $0x2D00  }
0x149: {  	[tilespmem:s10], [sflag:$0x5] =	stream.linear.gather [hbm4b:s1+s4], $0x280, $0x38;
	[tilespmem:$0x1FB00] =	vst v63  }
0x14a: {  	s1 =	sadd.s32 $0x61AD0, s28  }
0x14b: {  	[tilespmem:s14], [sflag:$0x5] =	stream.linear.gather [hbm4b:s1+s4], $0x280, $0x38;
	[tilespmem:$0x1FB00] =	vst v63  }
0x14c: {  	_ =	swait.ge [sflag:s31], $0x800  }
0x14d: {  	[sflag:s31] =	ssyncset.done $0x0  }
0x14e: {  	[sflag:s31] =	ssyncadd.s32 $0xFFFFF800  }
0x14f: {  	_ =	swait.ge [sflag:s31], $0x800  }
0x150: {  	[sflag:s31] =	ssyncset.done $0x0  }
0x151: {  	[sflag:s31] =	ssyncadd.s32 $0xFFFFF800  }
0x152: {  	_ =	swait.ge [sflag:s31], $0x800  }
0x153: {  	[sflag:s31] =	ssyncset.done $0x0  }
0x154: {  	[sflag:s31] =	ssyncadd.s32 $0xFFFFF800  }
0x155: {  	_ =	swait.ge [sflag:s31], $0x800  }
0x156: {  	[sflag:s31] =	ssyncset.done $0x0  }
0x157: {  	[sflag:s31] =	ssyncadd.s32 $0xFFFFF800  }
0x158: {  	_ =	swait.ge [sflag:s31], $0x800  }
0x159: {  	[sflag:s31] =	ssyncset.done $0x0  }
0x15a: {  	[sflag:s31] =	ssyncadd.s32 $0xFFFFF800  }
0x15b: {  	[spmem:s2] =	stream.indirect.scatter.add.f32 [tilespmem:s17], [sflag:$0x3], $0x10, s30, s22, $0xb8;
	[tilespmem:$0x1FB00] =	vst v63  }
0x15c: {  	_ = 	snop  }
0x15d: {  	[spmem:s3] =	stream.indirect.scatter.add.f32 [tilespmem:s0], [sflag:$0x4], $0x1, s30, s22, $0xb8;
	[tilespmem:$0x1FB00] =	vst v63  }
0x15e: {  	s29 =	simm.s32 $0xD00  }
0x15f: {  	[spmem:s2] =	stream.indirect.scatter.add.f32 [tilespmem:s29], [sflag:$0x3], $0x10, s13, s22, $0xb8;
	[tilespmem:$0x1FB00] =	vst v63  }
0x160: {  	_ = 	snop  }
0x161: {  	[spmem:s3] =	stream.indirect.scatter.add.f32 [tilespmem:s0], [sflag:$0x4], $0x1, s13, s22, $0xb8;
	[tilespmem:$0x1FB00] =	vst v63  }
0x162: {  	_ = 	snop  }
0x163: {  	[spmem:s2] =	stream.indirect.scatter.add.f32 [tilespmem:s9], [sflag:$0x3], $0x10, s25, s22, $0xb8;
	[tilespmem:$0x1FB00] =	vst v63  }
0x164: {  	_ = 	snop  }
0x165: {  	[spmem:s3] =	stream.indirect.scatter.add.f32 [tilespmem:s0], [sflag:$0x4], $0x1, s25, s22, $0xb8;
	[tilespmem:$0x1FB00] =	vst v63  }
0x166: {  	_ = 	snop  }
0x167: {  	[spmem:s2] =	stream.indirect.scatter.add.f32 [tilespmem:s19], [sflag:$0x3], $0x10, s16, s22, $0xb8;
	[tilespmem:$0x1FB00] =	vst v63  }
0x168: {  	_ = 	snop  }
0x169: {  	[spmem:s3] =	stream.indirect.scatter.add.f32 [tilespmem:s0], [sflag:$0x4], $0x1, s16, s22, $0xb8;
	[tilespmem:$0x1FB00] =	vst v63  }
0x16a: {  	_ = 	snop  }
0x16b: {  	[spmem:s2] =	stream.indirect.scatter.add.f32 [tilespmem:s15], [sflag:$0x3], $0x10, s6, s22, $0xb8;
	[tilespmem:$0x1FB00] =	vst v63  }
0x16c: {  	_ = 	snop  }
0x16d: {  	[spmem:s3] =	stream.indirect.scatter.add.f32 [tilespmem:s0], [sflag:$0x4], $0x1, s6, s22, $0xb8;
	[tilespmem:$0x1FB00] =	vst v63  }
0x16e: {  	_ =	swait.ge [sflag:s12], $0x280  }
0x16f: {  	[sflag:s12] =	ssyncset.done $0x0  }
0x170: {  	[sflag:s12] =	ssyncadd.s32 $0xFFFFFD80  }
0x171: {  	_ =	swait.ge [sflag:s12], $0x280  }
0x172: {  	[sflag:s12] =	ssyncset.done $0x0  }
0x173: {  	s15 =	simm.s32 $0x3200;
	[sflag:s12] =	ssyncadd.s32 $0xFFFFFD80  }
0x174: {  	[tilespmem:s15], [sflag:$0x6] =	stream.indirect.gather [hbm4b:s5+s22], $0x10, s10, s22, $0xb8;
	[tilespmem:$0x1FB00] =	vst v63  }
0x175: {  	s19 =	rddreg [dreg:$0x9];
	s10 =	simm.s32 $0x3A00  }
0x176: {  	[tilespmem:s10], [sflag:$0x6] =	stream.indirect.gather [hbm4b:s5+s22], $0x10, s19, s22, $0xb8;
	[tilespmem:$0x1FB00] =	vst v63  }
0x177: {  	s28 =	rddreg [dreg:$0xa];
	s19 =	simm.s32 $0x4200  }
0x178: {  	[tilespmem:s19], [sflag:$0x6] =	stream.indirect.gather [hbm4b:s5+s22], $0x10, s28, s22, $0xb8;
	[tilespmem:$0x1FB00] =	vst v63  }
0x179: {  	s1 =	rddreg [dreg:$0xb]  }
0x17a: {  	[tilespmem:s23], [sflag:$0x6] =	stream.indirect.gather [hbm4b:s5+s22], $0x10, s1, s22, $0xb8;
	[tilespmem:$0x1FB00] =	vst v63  }
0x17b: {  	s20 =	simm.s32 $0x5200;
	s28 =	rddreg [dreg:$0xc]  }
0x17c: {  	[tilespmem:s20], [sflag:$0x6] =	stream.indirect.gather [hbm4b:s5+s22], $0x10, s28, s22, $0xb8;
	[tilespmem:$0x1FB00] =	vst v63  }
0x17d: {  	_ =	swait.ge [sflag:s7], $0x800  }
0x17e: {  	[sflag:s7] =	ssyncset.done $0x0  }
0x17f: {  	[sflag:s7] =	ssyncadd.s32 $0xFFFFF800  }
0x180: {  	_ =	swait.ge [sflag:s7], $0x800  }
0x181: {  	[sflag:s7] =	ssyncset.done $0x0  }
0x182: {  	[sflag:s7] =	ssyncadd.s32 $0xFFFFF800  }
0x183: {  	_ =	swait.ge [sflag:s7], $0x800  }
0x184: {  	[sflag:s7] =	ssyncset.done $0x0  }
0x185: {  	[sflag:s7] =	ssyncadd.s32 $0xFFFFF800  }
0x186: {  	_ =	swait.ge [sflag:s7], $0x800  }
0x187: {  	[sflag:s7] =	ssyncset.done $0x0  }
0x188: {  	[sflag:s7] =	ssyncadd.s32 $0xFFFFF800  }
0x189: {  	_ =	swait.ge [sflag:s7], $0x800  }
0x18a: {  	[sflag:s7] =	ssyncset.done $0x0  }
0x18b: {  	[sflag:s7] =	ssyncadd.s32 $0xFFFFF800  }
0x18c: {  	[spmem:s2] =	stream.indirect.scatter.add.f32 [tilespmem:s15], [sflag:$0x7], $0x10, s14, s22, $0xb8;
	[tilespmem:$0x1FB00] =	vst v63  }
0x18d: {  	_ = 	snop  }
0x18e: {  	[spmem:s3] =	stream.indirect.scatter.add.f32 [tilespmem:s0], [sflag:$0x8], $0x1, s14, s22, $0xb8;
	[tilespmem:$0x1FB00] =	vst v63  }
0x18f: {  	s28 =	simm.s32 $0x3000  }
0x190: {  	[spmem:s2] =	stream.indirect.scatter.add.f32 [tilespmem:s10], [sflag:$0x7], $0x10, s28, s22, $0xb8;
	[tilespmem:$0x1FB00] =	vst v63  }
0x191: {  	_ = 	snop  }
0x192: {  	[spmem:s3] =	stream.indirect.scatter.add.f32 [tilespmem:s0], [sflag:$0x8], $0x1, s28, s22, $0xb8;
	[tilespmem:$0x1FB00] =	vst v63  }
0x193: {  	_ = 	snop  }
0x194: {  	[spmem:s2] =	stream.indirect.scatter.add.f32 [tilespmem:s19], [sflag:$0x7], $0x10, s8, s22, $0xb8;
	[tilespmem:$0x1FB00] =	vst v63  }
0x195: {  	s26 =	sadd.s32 $0xA0, s26  }
0x196: {  	[spmem:s3] =	stream.indirect.scatter.add.f32 [tilespmem:s0], [sflag:$0x8], $0x1, s8, s22, $0xb8;
	[tilespmem:$0x1FB00] =	vst v63  }
0x197: {  	p2 =	sne.s32 s26, $0x30C0  }
0x198: {  	[spmem:s2] =	stream.indirect.scatter.add.f32 [tilespmem:s23], [sflag:$0x7], $0x10, s11, s22, $0xb8;
	[tilespmem:$0x1FB00] =	vst v63  }
.Ltmp2:
0x199: {  	_ = 	snop;
	(pc) =	sbr.rel @p2 .LBB2_6-.Ltmp2, $4  }
0x19a: {  	_ = 	snop  }
0x19b: {  	[spmem:s3] =	stream.indirect.scatter.add.f32 [tilespmem:s0], [sflag:$0x8], $0x1, s11, s22, $0xb8;
	[tilespmem:$0x1FB00] =	vst v63  }
0x19c: {  	p1 =	por p3, p3;
	s1 =	simm.s32 $0x3180;
	s20 =	simm.s32 $0x5200  }
0x19d: {  	[spmem:s2] =	stream.indirect.scatter.add.f32 [tilespmem:s20], [sflag:$0x7], $0x10, s1, s22, $0xb8;
	[tilespmem:$0x1FB00] =	vst v63  }
0x19e: {  	[spmem:s3] =	stream.indirect.scatter.add.f32 [tilespmem:s0], [sflag:$0x8], $0x1, s1, s22, $0xb8;
	[tilespmem:$0x1FB00] =	vst v63  }
0x19f: {  	s1 =	simm.s32 @!p1 $0x3  }
0x1a0: {  	_ =	swait.ge @!p1 [sflag:s1], $0x800  }
0x1a1: {  	[sflag:s1] =	ssyncset.done @!p1 $0x0  }
0x1a2: {  	s26 =	simm.s32 @!p1 $0x4;
	[sflag:s1] =	ssyncadd.s32 @!p1 $0xFFFFF800  }
0x1a3: {  	_ =	swait.ge @!p1 [sflag:s26], $0x80  }
0x1a4: {  	[sflag:s26] =	ssyncset.done @!p1 $0x0  }
0x1a5: {  	[sflag:s26] =	ssyncadd.s32 @!p1 $0xFFFFFF80  }
0x1a6: {  	_ =	swait.ge @!p1 [sflag:s1], $0x800  }
0x1a7: {  	[sflag:s1] =	ssyncset.done @!p1 $0x0  }
0x1a8: {  	[sflag:s1] =	ssyncadd.s32 @!p1 $0xFFFFF800  }
0x1a9: {  	_ =	swait.ge @!p1 [sflag:s26], $0x80  }
0x1aa: {  	[sflag:s26] =	ssyncset.done @!p1 $0x0  }
0x1ab: {  	[sflag:s26] =	ssyncadd.s32 @!p1 $0xFFFFFF80  }
0x1ac: {  	_ =	swait.ge @!p1 [sflag:s1], $0x800  }
0x1ad: {  	[sflag:s1] =	ssyncset.done @!p1 $0x0  }
0x1ae: {  	[sflag:s1] =	ssyncadd.s32 @!p1 $0xFFFFF800  }
0x1af: {  	_ =	swait.ge @!p1 [sflag:s26], $0x80  }
0x1b0: {  	[sflag:s26] =	ssyncset.done @!p1 $0x0  }
0x1b1: {  	[sflag:s26] =	ssyncadd.s32 @!p1 $0xFFFFFF80  }
0x1b2: {  	_ =	swait.ge @!p1 [sflag:s1], $0x800  }
0x1b3: {  	[sflag:s1] =	ssyncset.done @!p1 $0x0  }
0x1b4: {  	[sflag:s1] =	ssyncadd.s32 @!p1 $0xFFFFF800  }
0x1b5: {  	_ =	swait.ge @!p1 [sflag:s26], $0x80  }
0x1b6: {  	[sflag:s26] =	ssyncset.done @!p1 $0x0  }
0x1b7: {  	[sflag:s26] =	ssyncadd.s32 @!p1 $0xFFFFFF80  }
0x1b8: {  	_ =	swait.ge @!p1 [sflag:s1], $0x800  }
0x1b9: {  	[sflag:s1] =	ssyncset.done @!p1 $0x0  }
0x1ba: {  	[sflag:s1] =	ssyncadd.s32 @!p1 $0xFFFFF800  }
0x1bb: {  	_ =	swait.ge @!p1 [sflag:s26], $0x80  }
0x1bc: {  	s15 =	rddreg [dreg:$0x5];
	[sflag:s26] =	ssyncset.done @!p1 $0x0  }
0x1bd: {  	[sflag:s26] =	ssyncadd.s32 @!p1 $0xFFFFFF80;
	s1 =	sadd.s32 s24, s15  }
0x1be: {  	[tilespmem:s4], [sflag:$0x1] =	stream.linear.gather [hbm4b:s1+s4], $0x280, $0x38;
	[tilespmem:$0x1FB00] =	vst v63  }
0x1bf: {  	s26 =	simm.s32 @!p1 $0x7;
	s24 =	sadd.s32 $0x61A80, s1  }
0x1c0: {  	[tilespmem:s30], [sflag:$0x1] =	stream.linear.gather [hbm4b:s24+s4], $0x280, $0x38;
	[tilespmem:$0x1FB00] =	vst v63  }
0x1c1: {  	_ =	swait.ge @!p1 [sflag:s26], $0x800  }
0x1c2: {  	[sflag:s26] =	ssyncset.done @!p1 $0x0  }
0x1c3: {  	s24 =	simm.s32 @!p1 $0x8;
	[sflag:s26] =	ssyncadd.s32 @!p1 $0xFFFFF800  }
0x1c4: {  	_ =	swait.ge @!p1 [sflag:s24], $0x80  }
0x1c5: {  	[sflag:s24] =	ssyncset.done @!p1 $0x0  }
0x1c6: {  	[sflag:s24] =	ssyncadd.s32 @!p1 $0xFFFFFF80  }
0x1c7: {  	_ =	swait.ge @!p1 [sflag:s26], $0x800  }
0x1c8: {  	[sflag:s26] =	ssyncset.done @!p1 $0x0  }
0x1c9: {  	[sflag:s26] =	ssyncadd.s32 @!p1 $0xFFFFF800  }
0x1ca: {  	_ =	swait.ge @!p1 [sflag:s24], $0x80  }
0x1cb: {  	[sflag:s24] =	ssyncset.done @!p1 $0x0  }
0x1cc: {  	[sflag:s24] =	ssyncadd.s32 @!p1 $0xFFFFFF80  }
0x1cd: {  	_ =	swait.ge @!p1 [sflag:s26], $0x800  }
0x1ce: {  	[sflag:s26] =	ssyncset.done @!p1 $0x0  }
0x1cf: {  	[sflag:s26] =	ssyncadd.s32 @!p1 $0xFFFFF800  }
0x1d0: {  	_ =	swait.ge @!p1 [sflag:s24], $0x80  }
0x1d1: {  	[sflag:s24] =	ssyncset.done @!p1 $0x0  }
0x1d2: {  	[sflag:s24] =	ssyncadd.s32 @!p1 $0xFFFFFF80  }
0x1d3: {  	_ =	swait.ge @!p1 [sflag:s26], $0x800  }
0x1d4: {  	[sflag:s26] =	ssyncset.done @!p1 $0x0  }
0x1d5: {  	[sflag:s26] =	ssyncadd.s32 @!p1 $0xFFFFF800  }
0x1d6: {  	_ =	swait.ge @!p1 [sflag:s24], $0x80  }
0x1d7: {  	[sflag:s24] =	ssyncset.done @!p1 $0x0  }
0x1d8: {  	[sflag:s24] =	ssyncadd.s32 @!p1 $0xFFFFFF80  }
0x1d9: {  	_ =	swait.ge @!p1 [sflag:s26], $0x800  }
0x1da: {  	[sflag:s26] =	ssyncset.done @!p1 $0x0  }
0x1db: {  	[sflag:s26] =	ssyncadd.s32 @!p1 $0xFFFFF800  }
0x1dc: {  	_ =	swait.ge @!p1 [sflag:s24], $0x80  }
0x1dd: {  	[sflag:s24] =	ssyncset.done @!p1 $0x0  }
0x1de: {  	[sflag:s24] =	ssyncadd.s32 @!p1 $0xFFFFFF80  }
0x1df: {  	_ =	swait.ge [sflag:s21], $0x280  }
0x1e0: {  	[sflag:s21] =	ssyncset.done $0x0  }
0x1e1: {  	[sflag:s21] =	ssyncadd.s32 $0xFFFFFD80  }
0x1e2: {  	_ =	swait.ge [sflag:s21], $0x280  }
0x1e3: {  	[sflag:s21] =	ssyncset.done $0x0  }
0x1e4: {  	[sflag:s21] =	ssyncadd.s32 $0xFFFFFD80  }
0x1e5: {  	[tilespmem:s17], [sflag:$0x2] =	stream.indirect.gather [hbm4b:s5+s22], $0x10, s4, s22, $0xb8;
	[tilespmem:$0x1FB00] =	vst v63  }
0x1e6: {  	_ = 	snop  }
0x1e7: {  	[tilespmem:s29], [sflag:$0x2] =	stream.indirect.gather [hbm4b:s5+s22], $0x10, s22, s22, $0xb8;
	[tilespmem:$0x1FB00] =	vst v63  }
0x1e8: {  	s26 =	rddreg [dreg:$0x6]  }
0x1e9: {  	[tilespmem:s9], [sflag:$0x2] =	stream.indirect.gather [hbm4b:s5+s22], $0x10, s26, s22, $0xb8;
	[tilespmem:$0x1FB00] =	vst v63  }
0x1ea: {  	s15 =	simm.s32 $0x1D00;
	s10 =	rddreg [dreg:$0x7]  }
0x1eb: {  	[tilespmem:s15], [sflag:$0x2] =	stream.indirect.gather [hbm4b:s5+s22], $0x10, s10, s22, $0xb8;
	[tilespmem:$0x1FB00] =	vst v63  }
0x1ec: {  	s24 =	rddreg [dreg:$0x8];
	s10 =	simm.s32 $0x2500  }
0x1ed: {  	[tilespmem:s10], [sflag:$0x2] =	stream.indirect.gather [hbm4b:s5+s22], $0x10, s24, s22, $0xb8;
	[tilespmem:$0x1FB00] =	vst v63  }
0x1ee: {  	s26 =	simm.s32 $0x2D00;
	s24 =	sadd.s32 $0x50, s1  }
0x1ef: {  	[tilespmem:s26], [sflag:$0x5] =	stream.linear.gather [hbm4b:s24+s4], $0x280, $0x38;
	[tilespmem:$0x1FB00] =	vst v63  }
0x1f0: {  	s1 =	sadd.s32 $0x61AD0, s1  }
0x1f1: {  	[tilespmem:s14], [sflag:$0x5] =	stream.linear.gather [hbm4b:s1+s4], $0x280, $0x38;
	[tilespmem:$0x1FB00] =	vst v63  }
0x1f2: {  	_ =	swait.ge [sflag:s31], $0x800  }
0x1f3: {  	[sflag:s31] =	ssyncset.done $0x0  }
0x1f4: {  	[sflag:s31] =	ssyncadd.s32 $0xFFFFF800  }
0x1f5: {  	_ =	swait.ge [sflag:s31], $0x800  }
0x1f6: {  	[sflag:s31] =	ssyncset.done $0x0  }
0x1f7: {  	[sflag:s31] =	ssyncadd.s32 $0xFFFFF800  }
0x1f8: {  	_ =	swait.ge [sflag:s31], $0x800  }
0x1f9: {  	[sflag:s31] =	ssyncset.done $0x0  }
0x1fa: {  	[sflag:s31] =	ssyncadd.s32 $0xFFFFF800  }
0x1fb: {  	_ =	swait.ge [sflag:s31], $0x800  }
0x1fc: {  	[sflag:s31] =	ssyncset.done $0x0  }
0x1fd: {  	[sflag:s31] =	ssyncadd.s32 $0xFFFFF800  }
0x1fe: {  	_ =	swait.ge [sflag:s31], $0x800  }
0x1ff: {  	[sflag:s31] =	ssyncset.done $0x0  }
0x200: {  	[sflag:s31] =	ssyncadd.s32 $0xFFFFF800  }
0x201: {  	[spmem:s2] =	stream.indirect.scatter.add.f32 [tilespmem:s17], [sflag:$0x3], $0x10, s30, s22, $0xb8;
	[tilespmem:$0x1FB00] =	vst v63  }
0x202: {  	_ = 	snop  }
0x203: {  	[spmem:s3] =	stream.indirect.scatter.add.f32 [tilespmem:s0], [sflag:$0x4], $0x1, s30, s22, $0xb8;
	[tilespmem:$0x1FB00] =	vst v63  }
0x204: {  	_ = 	snop  }
0x205: {  	[spmem:s2] =	stream.indirect.scatter.add.f32 [tilespmem:s29], [sflag:$0x3], $0x10, s13, s22, $0xb8;
	[tilespmem:$0x1FB00] =	vst v63  }
0x206: {  	_ = 	snop  }
0x207: {  	[spmem:s3] =	stream.indirect.scatter.add.f32 [tilespmem:s0], [sflag:$0x4], $0x1, s13, s22, $0xb8;
	[tilespmem:$0x1FB00] =	vst v63  }
0x208: {  	_ = 	snop  }
0x209: {  	[spmem:s2] =	stream.indirect.scatter.add.f32 [tilespmem:s9], [sflag:$0x3], $0x10, s25, s22, $0xb8;
	[tilespmem:$0x1FB00] =	vst v63  }
0x20a: {  	_ = 	snop  }
0x20b: {  	[spmem:s3] =	stream.indirect.scatter.add.f32 [tilespmem:s0], [sflag:$0x4], $0x1, s25, s22, $0xb8;
	[tilespmem:$0x1FB00] =	vst v63  }
0x20c: {  	_ = 	snop  }
0x20d: {  	[spmem:s2] =	stream.indirect.scatter.add.f32 [tilespmem:s15], [sflag:$0x3], $0x10, s16, s22, $0xb8;
	[tilespmem:$0x1FB00] =	vst v63  }
0x20e: {  	_ = 	snop  }
0x20f: {  	[spmem:s3] =	stream.indirect.scatter.add.f32 [tilespmem:s0], [sflag:$0x4], $0x1, s16, s22, $0xb8;
	[tilespmem:$0x1FB00] =	vst v63  }
0x210: {  	_ = 	snop  }
0x211: {  	[spmem:s2] =	stream.indirect.scatter.add.f32 [tilespmem:s10], [sflag:$0x3], $0x10, s6, s22, $0xb8;
	[tilespmem:$0x1FB00] =	vst v63  }
0x212: {  	_ = 	snop  }
0x213: {  	[spmem:s3] =	stream.indirect.scatter.add.f32 [tilespmem:s0], [sflag:$0x4], $0x1, s6, s22, $0xb8;
	[tilespmem:$0x1FB00] =	vst v63  }
0x214: {  	_ =	swait.ge [sflag:s12], $0x280  }
0x215: {  	[sflag:s12] =	ssyncset.done $0x0  }
0x216: {  	[sflag:s12] =	ssyncadd.s32 $0xFFFFFD80  }
0x217: {  	_ =	swait.ge [sflag:s12], $0x280  }
0x218: {  	[sflag:s12] =	ssyncset.done $0x0  }
0x219: {  	s10 =	simm.s32 $0x3200;
	[sflag:s12] =	ssyncadd.s32 $0xFFFFFD80  }
0x21a: {  	[tilespmem:s10], [sflag:$0x6] =	stream.indirect.gather [hbm4b:s5+s22], $0x10, s26, s22, $0xb8;
	[tilespmem:$0x1FB00] =	vst v63  }
0x21b: {  	s6 =	simm.s32 $0x3A00;
	s24 =	rddreg [dreg:$0x9]  }
0x21c: {  	[tilespmem:s6], [sflag:$0x6] =	stream.indirect.gather [hbm4b:s5+s22], $0x10, s24, s22, $0xb8;
	[tilespmem:$0x1FB00] =	vst v63  }
0x21d: {  	s15 =	simm.s32 $0x4200;
	s29 =	rddreg [dreg:$0xa]  }
0x21e: {  	[tilespmem:s15], [sflag:$0x6] =	stream.indirect.gather [hbm4b:s5+s22], $0x10, s29, s22, $0xb8;
	[tilespmem:$0x1FB00] =	vst v63  }
0x21f: {  	s13 =	rddreg [dreg:$0xb]  }
0x220: {  	[tilespmem:s23], [sflag:$0x6] =	stream.indirect.gather [hbm4b:s5+s22], $0x10, s13, s22, $0xb8;
	[tilespmem:$0x1FB00] =	vst v63  }
0x221: {  	s29 =	rddreg [dreg:$0xc]  }
0x222: {  	[tilespmem:s20], [sflag:$0x6] =	stream.indirect.gather [hbm4b:s5+s22], $0x10, s29, s22, $0xb8;
	[tilespmem:$0x1FB00] =	vst v63  }
0x223: {  	_ =	swait.ge [sflag:s7], $0x800  }
0x224: {  	[sflag:s7] =	ssyncset.done $0x0  }
0x225: {  	[sflag:s7] =	ssyncadd.s32 $0xFFFFF800  }
0x226: {  	_ =	swait.ge [sflag:s7], $0x800  }
0x227: {  	[sflag:s7] =	ssyncset.done $0x0  }
0x228: {  	[sflag:s7] =	ssyncadd.s32 $0xFFFFF800  }
0x229: {  	_ =	swait.ge [sflag:s7], $0x800  }
0x22a: {  	[sflag:s7] =	ssyncset.done $0x0  }
0x22b: {  	[sflag:s7] =	ssyncadd.s32 $0xFFFFF800  }
0x22c: {  	_ =	swait.ge [sflag:s7], $0x800  }
0x22d: {  	[sflag:s7] =	ssyncset.done $0x0  }
0x22e: {  	[sflag:s7] =	ssyncadd.s32 $0xFFFFF800  }
0x22f: {  	_ =	swait.ge [sflag:s7], $0x800  }
0x230: {  	[sflag:s7] =	ssyncset.done $0x0  }
0x231: {  	[sflag:s7] =	ssyncadd.s32 $0xFFFFF800  }
0x232: {  	[spmem:s2] =	stream.indirect.scatter.add.f32 [tilespmem:s10], [sflag:$0x7], $0x10, s14, s22, $0xb8;
	[tilespmem:$0x1FB00] =	vst v63  }
0x233: {  	_ = 	snop  }
0x234: {  	[spmem:s3] =	stream.indirect.scatter.add.f32 [tilespmem:s0], [sflag:$0x8], $0x1, s14, s22, $0xb8;
	[tilespmem:$0x1FB00] =	vst v63  }
0x235: {  	_ = 	snop  }
0x236: {  	[spmem:s2] =	stream.indirect.scatter.add.f32 [tilespmem:s6], [sflag:$0x7], $0x10, s28, s22, $0xb8;
	[tilespmem:$0x1FB00] =	vst v63  }
0x237: {  	_ = 	snop  }
0x238: {  	[spmem:s3] =	stream.indirect.scatter.add.f32 [tilespmem:s0], [sflag:$0x8], $0x1, s28, s22, $0xb8;
	[tilespmem:$0x1FB00] =	vst v63  }
0x239: {  	_ = 	snop  }
0x23a: {  	[spmem:s2] =	stream.indirect.scatter.add.f32 [tilespmem:s15], [sflag:$0x7], $0x10, s8, s22, $0xb8;
	[tilespmem:$0x1FB00] =	vst v63  }
0x23b: {  	_ = 	snop  }
0x23c: {  	[spmem:s3] =	stream.indirect.scatter.add.f32 [tilespmem:s0], [sflag:$0x8], $0x1, s8, s22, $0xb8;
	[tilespmem:$0x1FB00] =	vst v63  }
0x23d: {  	_ = 	snop  }
0x23e: {  	[spmem:s2] =	stream.indirect.scatter.add.f32 [tilespmem:s23], [sflag:$0x7], $0x10, s11, s22, $0xb8;
	[tilespmem:$0x1FB00] =	vst v63  }
0x23f: {  	_ = 	snop  }
0x240: {  	[spmem:s3] =	stream.indirect.scatter.add.f32 [tilespmem:s0], [sflag:$0x8], $0x1, s11, s22, $0xb8;
	[tilespmem:$0x1FB00] =	vst v63  }
0x241: {  	s19 =	simm.s32 $0x3180  }
0x242: {  	[spmem:s2] =	stream.indirect.scatter.add.f32 [tilespmem:s20], [sflag:$0x7], $0x10, s19, s22, $0xb8;
	[tilespmem:$0x1FB00] =	vst v63  }
0x243: {  	s11 =	simm.s32 $0x3  }
0x244: {  	[spmem:s3] =	stream.indirect.scatter.add.f32 [tilespmem:s0], [sflag:$0x8], $0x1, s19, s22, $0xb8;
	[tilespmem:$0x1FB00] =	vst v63  }
0x245: {  	_ =	swait.ge [sflag:s11], $0x800  }
0x246: {  	[sflag:s11] =	ssyncset.done $0x0  }
0x247: {  	s13 =	simm.s32 $0x4;
	[sflag:s11] =	ssyncadd.s32 $0xFFFFF800  }
0x248: {  	_ =	swait.ge [sflag:s13], $0x80  }
0x249: {  	[sflag:s13] =	ssyncset.done $0x0  }
0x24a: {  	[sflag:s13] =	ssyncadd.s32 $0xFFFFFF80  }
0x24b: {  	_ =	swait.ge [sflag:s11], $0x800  }
0x24c: {  	[sflag:s11] =	ssyncset.done $0x0  }
0x24d: {  	[sflag:s11] =	ssyncadd.s32 $0xFFFFF800  }
0x24e: {  	_ =	swait.ge [sflag:s13], $0x80  }
0x24f: {  	[sflag:s13] =	ssyncset.done $0x0  }
0x250: {  	[sflag:s13] =	ssyncadd.s32 $0xFFFFFF80  }
0x251: {  	_ =	swait.ge [sflag:s11], $0x800  }
0x252: {  	[sflag:s11] =	ssyncset.done $0x0  }
0x253: {  	[sflag:s11] =	ssyncadd.s32 $0xFFFFF800  }
0x254: {  	_ =	swait.ge [sflag:s13], $0x80  }
0x255: {  	[sflag:s13] =	ssyncset.done $0x0  }
0x256: {  	[sflag:s13] =	ssyncadd.s32 $0xFFFFFF80  }
0x257: {  	_ =	swait.ge [sflag:s11], $0x800  }
0x258: {  	[sflag:s11] =	ssyncset.done $0x0  }
0x259: {  	[sflag:s11] =	ssyncadd.s32 $0xFFFFF800  }
0x25a: {  	_ =	swait.ge [sflag:s13], $0x80  }
0x25b: {  	[sflag:s13] =	ssyncset.done $0x0  }
0x25c: {  	[sflag:s13] =	ssyncadd.s32 $0xFFFFFF80  }
0x25d: {  	_ =	swait.ge [sflag:s11], $0x800  }
0x25e: {  	[sflag:s11] =	ssyncset.done $0x0  }
0x25f: {  	[sflag:s11] =	ssyncadd.s32 $0xFFFFF800  }
0x260: {  	_ =	swait.ge [sflag:s13], $0x80  }
0x261: {  	[sflag:s13] =	ssyncset.done $0x0  }
0x262: {  	s15 =	simm.s32 $0x7;
	[sflag:s13] =	ssyncadd.s32 $0xFFFFFF80  }
0x263: {  	_ =	swait.ge [sflag:s15], $0x800  }
0x264: {  	[sflag:s15] =	ssyncset.done $0x0  }
0x265: {  	s19 =	simm.s32 $0x8;
	[sflag:s15] =	ssyncadd.s32 $0xFFFFF800  }
0x266: {  	_ =	swait.ge [sflag:s19], $0x80  }
0x267: {  	[sflag:s19] =	ssyncset.done $0x0  }
0x268: {  	[sflag:s19] =	ssyncadd.s32 $0xFFFFFF80  }
0x269: {  	_ =	swait.ge [sflag:s15], $0x800  }
0x26a: {  	[sflag:s15] =	ssyncset.done $0x0  }
0x26b: {  	[sflag:s15] =	ssyncadd.s32 $0xFFFFF800  }
0x26c: {  	_ =	swait.ge [sflag:s19], $0x80  }
0x26d: {  	[sflag:s19] =	ssyncset.done $0x0  }
0x26e: {  	[sflag:s19] =	ssyncadd.s32 $0xFFFFFF80  }
0x26f: {  	_ =	swait.ge [sflag:s15], $0x800  }
0x270: {  	[sflag:s15] =	ssyncset.done $0x0  }
0x271: {  	[sflag:s15] =	ssyncadd.s32 $0xFFFFF800  }
0x272: {  	_ =	swait.ge [sflag:s19], $0x80  }
0x273: {  	[sflag:s19] =	ssyncset.done $0x0  }
0x274: {  	[sflag:s19] =	ssyncadd.s32 $0xFFFFFF80  }
0x275: {  	_ =	swait.ge [sflag:s15], $0x800  }
0x276: {  	[sflag:s15] =	ssyncset.done $0x0  }
0x277: {  	[sflag:s15] =	ssyncadd.s32 $0xFFFFF800  }
0x278: {  	_ =	swait.ge [sflag:s19], $0x80  }
0x279: {  	[sflag:s19] =	ssyncset.done $0x0  }
0x27a: {  	[sflag:s19] =	ssyncadd.s32 $0xFFFFFF80  }
0x27b: {  	_ =	swait.ge [sflag:s15], $0x800  }
0x27c: {  	[sflag:s15] =	ssyncset.done $0x0  }
0x27d: {  	[sflag:s15] =	ssyncadd.s32 $0xFFFFF800  }
0x27e: {  	_ =	swait.ge [sflag:s19], $0x80  }
0x27f: {  	[sflag:s19] =	ssyncset.done $0x0  }
0x280: {  	s20 =	rddreg [dreg:$0x10];
	[sflag:s19] =	ssyncadd.s32 $0xFFFFFF80  }
0x281: {  	[tilespmem:s26], [sflag:$0x9] =	stream.linear.gather [hbm4b:s20+s4], $0x80, $0x38;
	[tilespmem:$0x1FB00] =	vst v63  }
0x282: {  	_ =	swait.ge [sflag:s18], $0x80  }
0x283: {  	[sflag:s18] =	ssyncset.done $0x0  }
0x284: {  	s24 =	rddreg [dreg:$0x11];
	[sflag:s18] =	ssyncadd.s32 $0xFFFFFF80  }
0x285: {  	[tilespmem:s14], [sflag:$0x9] =	stream.linear.gather [hbm4b:s24+s4], $0x80, $0x38;
	[tilespmem:$0x1FB00] =	vst v63  }
0x286: {  	_ =	swait.ge [sflag:s18], $0x80  }
0x287: {  	[sflag:s18] =	ssyncset.done $0x0  }
0x288: {  	[sflag:s18] =	ssyncadd.s32 $0xFFFFFF80  }
0x289: {  	[tilespmem:s10], [sflag:$0x9] =	stream.indirect.gather [hbm4b:s5+s22], $0x10, s26, s22, $0xb8;
	[tilespmem:$0x1FB00] =	vst v63  }
0x28a: {  	_ =	swait.ge [sflag:s18], $0x800  }
0x28b: {  	[sflag:s18] =	ssyncset.done $0x0  }
0x28c: {  	[sflag:s18] =	ssyncadd.s32 $0xFFFFF800  }
0x28d: {  	[spmem:s2] =	stream.indirect.scatter.add.f32 [tilespmem:s10], [sflag:$0x9], $0x10, s14, s22, $0xb8;
	[tilespmem:$0x1FB00] =	vst v63  }
0x28e: {  	_ =	swait.ge [sflag:s18], $0x800  }
0x28f: {  	[sflag:s18] =	ssyncset.done $0x0  }
0x290: {  	[sflag:s18] =	ssyncadd.s32 $0xFFFFF800  }
0x291: {  	[spmem:s3] =	stream.indirect.scatter.add.f32 [tilespmem:s0], [sflag:$0x9], $0x1, s14, s22, $0xb8;
	[tilespmem:$0x1FB00] =	vst v63  }
0x292: {  	_ =	swait.ge [sflag:s18], $0x80  }
0x293: {  	s1 =	simm.s32 @!p0 $0x0;
	[sflag:s18] =	ssyncset.done $0x0  }
0x294: {  	s24 =	simm.s32 @!p0 $0x2D80;
	s26 =	rddreg [dreg:$0x12];
	[sflag:s18] =	ssyncadd.s32 $0xFFFFFF80  }
0x295: {  	[tilespmem:s24], [sflag:$0x9] =	stream.linear.gather @!p0 [hbm4b:s26+s1], $0x80, $0x38;
	[tilespmem:$0x1FB00] =	vst v63  }
0x296: {  	s26 =	simm.s32 @!p0 $0x9  }
0x297: {  	_ =	swait.ge @!p0 [sflag:s26], $0x80  }
0x298: {  	[sflag:s26] =	ssyncset.done @!p0 $0x0  }
0x299: {  	s28 =	simm.s32 @!p0 $0x3000;
	s29 =	rddreg [dreg:$0x13];
	[sflag:s26] =	ssyncadd.s32 @!p0 $0xFFFFFF80  }
0x29a: {  	[tilespmem:s28], [sflag:$0x9] =	stream.linear.gather @!p0 [hbm4b:s29+s1], $0x80, $0x38;
	[tilespmem:$0x1FB00] =	vst v63  }
0x29b: {  	_ =	swait.ge @!p0 [sflag:s26], $0x80  }
0x29c: {  	[sflag:s26] =	ssyncset.done @!p0 $0x0  }
0x29d: {  	s1 =	simm.s32 @!p0 $0x80;
	s29 =	simm.s32 @!p0 $0x3A00;
	[sflag:s26] =	ssyncadd.s32 @!p0 $0xFFFFFF80  }
0x29e: {  	[tilespmem:s29], [sflag:$0x9] =	stream.indirect.gather @!p0 [hbm4b:s5+s1], $0x10, s24, s1, $0xb8;
	[tilespmem:$0x1FB00] =	vst v63  }
0x29f: {  	_ =	swait.ge @!p0 [sflag:s26], $0x800  }
0x2a0: {  	[sflag:s26] =	ssyncset.done @!p0 $0x0  }
0x2a1: {  	[sflag:s26] =	ssyncadd.s32 @!p0 $0xFFFFF800  }
0x2a2: {  	[spmem:s2] =	stream.indirect.scatter.add.f32 @!p0 [tilespmem:s29], [sflag:$0x9], $0x10, s28, s1, $0xb8;
	[tilespmem:$0x1FB00] =	vst v63  }
0x2a3: {  	_ =	swait.ge @!p0 [sflag:s26], $0x800  }
0x2a4: {  	[sflag:s26] =	ssyncset.done @!p0 $0x0  }
0x2a5: {  	s24 =	simm.s32 @!p0 $0x5A00;
	[sflag:s26] =	ssyncadd.s32 @!p0 $0xFFFFF800  }
0x2a6: {  	[spmem:s3] =	stream.indirect.scatter.add.f32 @!p0 [tilespmem:s24], [sflag:$0x9], $0x1, s28, s1, $0xb8;
	[tilespmem:$0x1FB00] =	vst v63  }
0x2a7: {  	_ =	swait.ge @!p0 [sflag:s26], $0x80  }
0x2a8: {  	[sflag:s26] =	ssyncset.done @!p0 $0x0  }
0x2a9: {  	[sflag:s26] =	ssyncadd.s32 @!p0 $0xFFFFFF80  }
0x2aa: {  	s26 =	stileid.u32;
	[bflag:$0x0] =	sbarrier.arrive $0xFFFF  }
0x2ab: {  	s1 =	sshll.u32 s26, $0x6;
	s28 =	rddreg [dreg:$0x14]  }
0x2ac: {  	s1 =	sor.u32 $0x1C09, s1;
	s29 =	rddreg [dreg:$0x18]  }
0x2ad: {  	[hbm:s28], [sflag:s1] =	dma.local [spmem:s29], $0x30E0  }
0x2ae: {  	s6 =	simm.s32 $0x0;
	_ =	swait.ge [sflag:s18], $0x30E0  }
0x2af: {  	s14 =	simm.s32 $0x2F80;
	[sflag:s18] =	ssyncset.done $0x0;
	s15 =	rddreg [dreg:$0xd]  }
0x2b0: {  	s26 =	simm.s32 $0x0;
	s8 =	rddreg [dreg:$0x19];
	[sflag:s18] =	ssyncadd.s32 $0xFFFFCF20  }
.LBB2_8:
0x2b1: {  	s1 =	smul.u32 $0x110, s26  }
0x2b2: {  	s24 =	rddreg [dreg:$0xe]  }
0x2b3: {  	s10 =	sadd.s32 s24, s1  }
0x2b4: {  	s24 =	simm.s32 $0x5A80;
	s1 =	sadd.s32 s10, s3  }
0x2b5: {  	[tilespmem:s24], [sflag:$0x9] =	stream.linear.gather [spmem:s1], $0x110, $0x38;
	[tilespmem:$0x1FB00] =	vst v63  }
0x2b6: {  	_ =	swait.ge [sflag:s18], $0x110  }
0x2b7: {  	v3 =	vmov s6;
	[sflag:s18] =	ssyncset.done $0x0  }
0x2b8: {  	v4 =	vshll.u32 v3, $0x4;
	[sflag:s18] =	ssyncadd.s32 $0xFFFFFEF0  }
0x2b9: {  	v4 =	vor.u32 v2, v4;
	v3 =	vld [tilespmem:s24+$0x0]  }
0x2ba: {  	v5 =	vor.u32 $0x1, v4  }
0x2bb: {  	v6 =	vor.u32 $0x2, v4  }
0x2bc: {  	v7 =	vor.u32 $0x3, v4  }
0x2bd: {  	v8 =	vor.u32 $0x4, v4  }
0x2be: {  	v9 =	vor.u32 $0x5, v4;
	[tilespmem:v4+s17+$0x0] =	vst.idx.msk $0xffff, v3  }
0x2bf: {  	[tilespmem:v5+s17+$0x0] =	vst.idx.msk $0xffff, v3;
	v5 =	vor.u32 $0x6, v4  }
0x2c0: {  	[tilespmem:v6+s17+$0x0] =	vst.idx.msk $0xffff, v3;
	v6 =	vor.u32 $0x7, v4  }
0x2c1: {  	[tilespmem:v7+s17+$0x0] =	vst.idx.msk $0xffff, v3;
	v7 =	vor.u32 $0x8, v4  }
0x2c2: {  	v61 =	vor.u32 $0x9, v4;
	[tilespmem:v8+s17+$0x0] =	vst.idx.msk $0xffff, v3  }
0x2c3: {  	v62 =	vor.u32 $0xA, v4;
	[tilespmem:v9+s17+$0x0] =	vst.idx.msk $0xffff, v3  }
0x2c4: {  	[tilespmem:v5+s17+$0x0] =	vst.idx.msk $0xffff, v3;
	v5 =	vor.u32 $0xB, v4  }
0x2c5: {  	[tilespmem:v6+s17+$0x0] =	vst.idx.msk $0xffff, v3;
	v6 =	vor.u32 $0xC, v4  }
0x2c6: {  	[tilespmem:v7+s17+$0x0] =	vst.idx.msk $0xffff, v3;
	v7 =	vor.u32 $0xD, v4  }
0x2c7: {  	v63 =	vor.u32 $0xE, v4;
	[tilespmem:v61+s17+$0x0] =	vst.idx.msk $0xffff, v3  }
0x2c8: {  	[tilespmem:v62+s17+$0x0] =	vst.idx.msk $0xffff, v3  }
0x2c9: {  	v4 =	vor.u32 $0xF, v4;
	[tilespmem:v5+s17+$0x0] =	vst.idx.msk $0xffff, v3  }
0x2ca: {  	[tilespmem:v6+s17+$0x0] =	vst.idx.msk $0xffff, v3  }
0x2cb: {  	s29 =	simm.s32 $0x10;
	[tilespmem:v7+s17+$0x0] =	vst.idx.msk $0xffff, v3  }
0x2cc: {  	s28 =	simm.s32 $0x20;
	v5 =	vmov s29;
	[tilespmem:v63+s17+$0x0] =	vst.idx.msk $0xffff, v3  }
.LBB2_9:
0x2cd: {  	p1 =	sne.s32 s28, $0x100  }
0x2ce: {  	v5 =	vshll.u32 v5, $0x4;
	[tilespmem:v4+s17+$0x0] =	vst.idx.msk $0xffff, v3;
	s24 =	sadd.s32 $0x10, s24;
	s1 =	smov.u32 s28;
	s28 =	sadd.s32 $0x10, s28  }
0x2cf: {  	v3 =	vld [tilespmem:s24+$0x0];
	v4 =	vor.u32 v2, v5  }
0x2d0: {  	v5 =	vor.u32 $0x1, v4  }
0x2d1: {  	v6 =	vor.u32 $0x2, v4  }
0x2d2: {  	v7 =	vor.u32 $0x3, v4  }
0x2d3: {  	v8 =	vor.u32 $0x4, v4  }
0x2d4: {  	v9 =	vor.u32 $0x5, v4;
	[tilespmem:v4+s17+$0x0] =	vst.idx.msk $0xffff, v3  }
0x2d5: {  	[tilespmem:v5+s17+$0x0] =	vst.idx.msk $0xffff, v3;
	v5 =	vor.u32 $0x6, v4  }
0x2d6: {  	[tilespmem:v6+s17+$0x0] =	vst.idx.msk $0xffff, v3;
	v6 =	vor.u32 $0x7, v4  }
0x2d7: {  	[tilespmem:v7+s17+$0x0] =	vst.idx.msk $0xffff, v3;
	v7 =	vor.u32 $0x8, v4  }
0x2d8: {  	[tilespmem:v8+s17+$0x0] =	vst.idx.msk $0xffff, v3;
	v8 =	vor.u32 $0x9, v4  }
0x2d9: {  	[tilespmem:v9+s17+$0x0] =	vst.idx.msk $0xffff, v3;
	v9 =	vor.u32 $0xA, v4  }
0x2da: {  	[tilespmem:v5+s17+$0x0] =	vst.idx.msk $0xffff, v3;
	v5 =	vor.u32 $0xB, v4  }
0x2db: {  	[tilespmem:v6+s17+$0x0] =	vst.idx.msk $0xffff, v3;
	v6 =	vor.u32 $0xC, v4  }
0x2dc: {  	[tilespmem:v7+s17+$0x0] =	vst.idx.msk $0xffff, v3;
	v7 =	vor.u32 $0xD, v4  }
0x2dd: {  	[tilespmem:v8+s17+$0x0] =	vst.idx.msk $0xffff, v3;
	v8 =	vor.u32 $0xE, v4  }
.Ltmp3:
0x2de: {  	v4 =	vor.u32 $0xF, v4;
	[tilespmem:v9+s17+$0x0] =	vst.idx.msk $0xffff, v3;
	(pc) =	sbr.rel @p1 .LBB2_9-.Ltmp3, $4  }
0x2df: {  	[tilespmem:v5+s17+$0x0] =	vst.idx.msk $0xffff, v3  }
0x2e0: {  	[tilespmem:v6+s17+$0x0] =	vst.idx.msk $0xffff, v3  }
0x2e1: {  	[tilespmem:v7+s17+$0x0] =	vst.idx.msk $0xffff, v3  }
0x2e2: {  	v5 =	vmov s1;
	[tilespmem:v8+s17+$0x0] =	vst.idx.msk $0xffff, v3  }
0x2e3: {  	_ =	sdelay $0x3  }
0x2e4: {  	v5 =	vshll.u32 v5, $0x4;
	[tilespmem:v4+s17+$0x0] =	vst.idx.msk $0xffff, v3;
	s1 =	sadd.s32 $0x10, s24  }
0x2e5: {  	v3 =	vld [tilespmem:s1+$0x0];
	v54 =	vor.u32 v2, v5  }
0x2e6: {  	v5 =	vor.u32 $0x1, v54  }
0x2e7: {  	v6 =	vor.u32 $0x2, v54  }
0x2e8: {  	v7 =	vor.u32 $0x3, v54  }
0x2e9: {  	v8 =	vor.u32 $0x4, v54  }
0x2ea: {  	v9 =	vor.u32 $0x5, v54;
	[tilespmem:v54+s17+$0x0] =	vst.idx.msk $0xffff, v3  }
0x2eb: {  	v55 =	vor.u32 $0x6, v54;
	[tilespmem:v5+s17+$0x0] =	vst.idx.msk $0xffff, v3  }
0x2ec: {  	v56 =	vor.u32 $0x7, v54;
	[tilespmem:v6+s17+$0x0] =	vst.idx.msk $0xffff, v3  }
0x2ed: {  	v57 =	vor.u32 $0x8, v54;
	[tilespmem:v7+s17+$0x0] =	vst.idx.msk $0xffff, v3  }
0x2ee: {  	v58 =	vor.u32 $0x9, v54;
	[tilespmem:v8+s17+$0x0] =	vst.idx.msk $0xffff, v3  }
0x2ef: {  	v59 =	vor.u32 $0xA, v54;
	[tilespmem:v9+s17+$0x0] =	vst.idx.msk $0xffff, v3  }
0x2f0: {  	v60 =	vor.u32 $0xB, v54;
	[tilespmem:v55+s17+$0x0] =	vst.idx.msk $0xffff, v3  }
0x2f1: {  	v61 =	vor.u32 $0xC, v54;
	[tilespmem:v56+s17+$0x0] =	vst.idx.msk $0xffff, v3  }
0x2f2: {  	v62 =	vor.u32 $0xD, v54;
	[tilespmem:v57+s17+$0x0] =	vst.idx.msk $0xffff, v3  }
0x2f3: {  	v63 =	vor.u32 $0xE, v54;
	[tilespmem:v58+s17+$0x0] =	vst.idx.msk $0xffff, v3  }
0x2f4: {  	v4 =	vor.u32 $0xF, v54;
	[tilespmem:v59+s17+$0x0] =	vst.idx.msk $0xffff, v3  }
0x2f5: {  	[tilespmem:v60+s17+$0x0] =	vst.idx.msk $0xffff, v3  }
0x2f6: {  	s28 =	sshll.u32 s10, $0x4;
	s29 =	rddreg [dreg:$0xf];
	[tilespmem:v61+s17+$0x0] =	vst.idx.msk $0xffff, v3  }
0x2f7: {  	s26 =	sadd.s32 $0x1, s26;
	s1 =	sadd.s32 s29, s28;
	[tilespmem:v62+s17+$0x0] =	vst.idx.msk $0xffff, v3  }
0x2f8: {  	p1 =	sne.s32 s26, $0x17;
	s1 =	sshrl.u32 s1, $0x3;
	[tilespmem:v63+s17+$0x0] =	vst.idx.msk $0xffff, v3  }
.Ltmp4:
0x2f9: {  	s1 =	sadd.s32 s15, s1;
	[tilespmem:v4+s17+$0x0] =	vst.idx.msk $0xffff, v3;
	(pc) =	sbr.rel @p1 .LBB2_8-.Ltmp4, $4  }
0x2fa: {  	[hbm4b:s1+s4] =	stream.linear.scatter [tilespmem:s17], [sflag:$0x9], $0x1100, $0x38;
	[tilespmem:$0x1FB00] =	vst v63  }
0x2fb: {  	_ =	swait.ge [sflag:s18], $0x1100  }
0x2fc: {  	[sflag:s18] =	ssyncset.done $0x0  }
0x2fd: {  	[sflag:s18] =	ssyncadd.s32 $0xFFFFEF00  }
0x2fe: {  	s8 =	sadd.s32 $0x1, s8;
	s1 =	rddreg [dreg:$0x15]  }
0x2ff: {  	p1 =	sne.s32 s8, s1  }
.Ltmp5:
0x300: {  	_ = 	snop;
	(pc) =	sbr.rel @p1 .LBB2_1-.Ltmp5, $2  }
0x301: {  	_ =	sdelay $0x2  }
0x302: {  	s28 =	simm.s32 $0x5A80;
	s6 =	simm.s32 $0x280  }
0x303: {  	_ =	sfence.sel $0x180000  }
0x304: {  	[bflag:$0x0] =	sbarrier.arrive $0xFFFF  }
0x305: {  	_ =	strace $0x90000047  }
0x306: {  	s0 =	stileid.u32;
	[bflag:$0x2] =	sbarrier.arrive $0xFFFF  }
0x307: {  	p0 =	sne.s32 s0, $0x0;
	s0 =	rddreg [dreg:$0x4]  }
0x308: {  	s0 =	sadd.s32 @!p0 $0x100000, s0  }
0x309: {  	[sflag:s0] =	ssyncadd.tile.s32 @!p0 $0x1;
	_ =	shalt  }
.Lfunc_end2:
_tile_overlayer_lowered:
.L_overlay_start_2:
0x30a: {  	(tag) =	ssettag $0x2  }
0x30b: {  	s0 =	rddreg [dreg:$0x0];
	s2 =	stileid.u32  }
0x30c: {  	s1 =	rddreg [dreg:$0x1];
	p0 =	sne.s32 s2, $0x0  }
0x30d: {  	s3 =	rddreg [dreg:$0x2];
	[bflag:$0x3] =	sbarrier.arrive $0xFFFF;
	s2 =	simm.s32 @!p0 $0x1C09  }
0x30e: {  	[timem:s3], [sflag:s2] =	dma.local @!p0 [hbm:s0], s1  }
0x30f: {  	s0 =	simm.s32 @!p0 $0x9  }
0x310: {  	_ =	swait.ge @!p0 [sflag:s0], s1  }
0x311: {  	s1 =	ssub.s32 @!p0 $0x0, s1;
	[sflag:s0] =	ssyncset.done @!p0 $0x0  }
0x312: {  	[sflag:s0] =	ssyncadd.s32 @!p0 s1  }
0x313: {  	[bflag:$0x3] =	sbarrier.arrive $0xFFFF  }
0x314: {  	_ =	shalt  }

</sc_bundles>
